<compile_context>
chip_gen: v7x
topology: tpu7x:2x2x1
jax: 0.10.2.dev20260603
libtpu: 0.0.44.dev20260713+nightly
codegen_flags: <defaults>
</compile_context>

<pallas_src>
import functools

import jax
import jax.numpy as jnp
from jax import lax
from jax.experimental import pallas as pl
from jax.experimental.pallas import tpu as pltpu
from jax.experimental.pallas import tpu_sc as plsc

B, T, D, K = 2, 196, 256, 512
N = B * T
NC, NS, L = 1, 16, 16
RPW = 32
NACT = (N + RPW - 1) // RPW


def _argmin_body(z_ref, cb_ref, idx_ref):
    z = z_ref[...]
    cbt = cb_ref[...].T
    scores = jnp.dot(z, cbt,
                     preferred_element_type=jnp.float32,
                     precision=lax.Precision.HIGHEST)
    cnorm = jnp.sum(cbt * cbt, axis=0)
    deltas = cnorm[None, :] - 2.0 * scores
    m = jnp.min(deltas, axis=1, keepdims=True)
    ids = lax.broadcasted_iota(jnp.int32, deltas.shape, 1)
    idx_ref[...] = jnp.min(jnp.where(deltas == m, ids, K), axis=1)


_tc_argmin = pl.pallas_call(
    _argmin_body,
    out_shape=jax.ShapeDtypeStruct((N,), jnp.int32),
)


H = RPW // 2


def _sc_body(cb_hbm, idx_hbm, z_hbm, q_hbm, loss_hbm,
             idx_a, idx_b, rows_a, rows_b, z_v, loss_v,
             sem_z, sem_a, sem_b, sem_out):
    wid = lax.axis_index("s") * NC + lax.axis_index("c")

    @pl.when(wid < NACT)
    def _():
        base = jnp.minimum(wid * RPW, N - RPW)
        zcp = pltpu.async_copy(z_hbm.at[pl.ds(base, RPW)], z_v, sem_z)
        pltpu.sync_copy(idx_hbm.at[pl.ds(base, H)], idx_a)
        pltpu.sync_copy(idx_hbm.at[pl.ds(base + H, H)], idx_b)
        ga = pltpu.async_copy(cb_hbm.at[idx_a], rows_a, sem_a)
        gb = pltpu.async_copy(cb_hbm.at[idx_b], rows_b, sem_b)

        def loss_half(rows, zoff):
            def row_body(i, carry):
                for j in range(0, D, L):
                    d = rows[i, pl.ds(j, L)] - z_v[zoff + i, pl.ds(j, L)]
                    loss_v[zoff + i, pl.ds(j, L)] = d * d
                return carry
            lax.fori_loop(0, H, row_body, 0)

        ga.wait()
        qa = pltpu.async_copy(rows_a, q_hbm.at[pl.ds(base, H)], sem_out)
        zcp.wait()
        loss_half(rows_a, 0)
        gb.wait()
        qb = pltpu.async_copy(rows_b, q_hbm.at[pl.ds(base + H, H)], sem_out)
        loss_half(rows_b, H)
        lcp = pltpu.async_copy(loss_v, loss_hbm.at[pl.ds(base, RPW)], sem_out)
        qa.wait()
        qb.wait()
        lcp.wait()


@functools.cache
def _sc_gather():
    return functools.partial(
        pl.kernel,
        mesh=plsc.VectorSubcoreMesh(core_axis_name="c", subcore_axis_name="s",
                                    num_cores=NC),
        out_type=[jax.ShapeDtypeStruct((N, D), jnp.float32),
                  jax.ShapeDtypeStruct((N, D), jnp.float32)],
        scratch_types=[
            pltpu.VMEM((H,), jnp.int32),
            pltpu.VMEM((H,), jnp.int32),
            pltpu.VMEM((H, D), jnp.float32),
            pltpu.VMEM((H, D), jnp.float32),
            pltpu.VMEM((RPW, D), jnp.float32),
            pltpu.VMEM((RPW, D), jnp.float32),
            pltpu.SemaphoreType.DMA,
            pltpu.SemaphoreType.DMA,
            pltpu.SemaphoreType.DMA,
            pltpu.SemaphoreType.DMA,
        ],
    )(_sc_body)


def kernel(inputs, codebook):
    zf = inputs.reshape(N, D)
    idx = _tc_argmin(zf, codebook)
    q_rows, loss_rows = _sc_gather()(codebook, idx, zf)
    quantized = q_rows.reshape(1, B, T, D)
    loss = loss_rows.reshape(1, B, T, D)
    nn_idx = idx.reshape(B, T)
    return (quantized, loss, nn_idx, codebook)

# --- scband reference (transcript-rebuilt; emitter-appended) ---
"""Pipeline reference for scband-vector-quantizer-38465727103636 (READ-ONLY COPY).

The authoritative reference and input builder live on the scoring server;
editing this copy changes nothing except your own understanding.
"""

import jax, jax.numpy as jnp
import numpy as np

NUM_CENTROIDS = 512


def setup_inputs(seed: int = 0) -> dict:
    key = jax.random.key(seed)
    k1, k2 = jax.random.split(key)
    inputs = jax.random.normal(k1, (2, 196, 256), dtype=jnp.float32)
    # learned parameter: codebook, init normal(stddev=1.0) per nn.initializers.normal(1.0)
    codebook = jax.random.normal(k2, (NUM_CENTROIDS, 256), dtype=jnp.float32)
    return {"inputs": inputs, "codebook": codebook}


def reference(inputs, codebook):
    num_centroids = codebook.shape[0]
    # codes: codebook expanded with leading singleton dims, shape [1, 1, K, D]
    codes = jnp.expand_dims(codebook, tuple(range(inputs.ndim - 1)))
    features = jax.lax.stop_gradient(inputs)
    features = jnp.expand_dims(features, -2)  # [B, T, 1, D]
    deltas = jnp.sum(jnp.square(codes - features), axis=-1)  # [B, T, K]
    nn_idx = jnp.argmin(deltas, axis=-1)  # [B, T]
    encoding = jax.nn.one_hot(nn_idx, num_centroids)  # [B, T, K]
    # matmul broadcasts batch dims: [B,T,K] @ [1,1,K,D] -> [1,B,T,D]
    quantized = jnp.matmul(encoding, codes)
    quantization_loss = jnp.square(quantized - jax.lax.stop_gradient(inputs))
    quantized = inputs + jax.lax.stop_gradient(quantized - inputs)
    return (quantized, quantization_loss, nn_idx, codebook)

if __name__ == "__main__":
    import jax
    _d = setup_inputs()
    print(jax.jit(kernel)(*tuple(_d.values())))

</pallas_src>

<mosaic_0001>
#map = affine_map<(d0, d1) -> (0, 0)>
#map1 = affine_map<(d0, d1) -> (0)>
module attributes {stable_mosaic.version = 14 : i64} {
  func.func @_sc_body(%arg0: i32, %arg1: i32, %arg2: memref<512x256xf32, #tpu.memory_space<hbm>>, %arg3: memref<392xi32, #tpu.memory_space<hbm>>, %arg4: memref<392x256xf32, #tpu.memory_space<hbm>>, %arg5: memref<392x256xf32, #tpu.memory_space<hbm>>, %arg6: memref<392x256xf32, #tpu.memory_space<hbm>>, %arg7: memref<16xi32, #tpu.memory_space<vmem>>, %arg8: memref<16xi32, #tpu.memory_space<vmem>>, %arg9: memref<16x256xf32, #tpu.memory_space<vmem>>, %arg10: memref<16x256xf32, #tpu.memory_space<vmem>>, %arg11: memref<32x256xf32, #tpu.memory_space<vmem>>, %arg12: memref<32x256xf32, #tpu.memory_space<vmem>>, %arg13: memref<!tpu.dma_semaphore, #tpu.memory_space<semaphore_mem>>, %arg14: memref<!tpu.dma_semaphore, #tpu.memory_space<semaphore_mem>>, %arg15: memref<!tpu.dma_semaphore, #tpu.memory_space<semaphore_mem>>, %arg16: memref<!tpu.dma_semaphore, #tpu.memory_space<semaphore_mem>>) attributes {dimension_semantics = [#tpu.dimension_semantics<core_parallel>, #tpu.dimension_semantics<subcore_parallel>], iteration_bounds = array<i64: 1, 16>, scalar_prefetch = 0 : i64, scratch_operands = 10 : i64, tpu.core_type = #tpu.core_type<sc_vector_subcore>, window_params = [{transform_indices = #map}, {transform_indices = #map1}, {transform_indices = #map}, {transform_indices = #map}, {transform_indices = #map}]} {
    %mul3A = arith.constant 1 : i32
    %mul3A_0 = arith.muli %arg1, %mul3A : i32
    %add3A = arith.addi %mul3A_0, %arg0 : i32
    %lt3A = arith.constant 13 : i32
    %lt3A_1 = arith.cmpi slt, %add3A, %lt3A : i32
    %convert_element_type3A = arith.extui %lt3A_1 : i1 to i32
    %cond3A = arith.constant 0 : i32
    %cond3A_2 = arith.cmpi ne, %convert_element_type3A, %cond3A : i32
    scf.if %cond3A_2 {
      %mul3A_3 = arith.constant 32 : i32
      %mul3A_4 = arith.muli %add3A, %mul3A_3 : i32
      %min3A = arith.constant 360 : i32
      %min3A_5 = arith.minsi %mul3A_4, %min3A : i32
      %dma_start3A = arith.constant 0 : i32
      %dma_start3A_6 = tpu.memref_slice %arg4[%min3A_5, %dma_start3A] : memref<392x256xf32, #tpu.memory_space<hbm>> -> memref<32x256xf32, #tpu.memory_space<hbm>>
      %dma_start3A_7 = arith.constant 0 : i32
      %dma_start3A_8 = tpu.memref_slice %arg4[%min3A_5, %dma_start3A_7] : memref<392x256xf32, #tpu.memory_space<hbm>> -> memref<32x256xf32, #tpu.memory_space<hbm>>
      tpu.enqueue_dma source(%dma_start3A_8 : memref<32x256xf32, #tpu.memory_space<hbm>>) target(%arg11 : memref<32x256xf32, #tpu.memory_space<vmem>>) target_semaphore(%arg13 : memref<!tpu.dma_semaphore, #tpu.memory_space<semaphore_mem>>)
      "tpu.region"() ({
        %run_scoped3A = tpu.sem_alloc : memref<!tpu.dma_semaphore, #tpu.memory_space<semaphore_mem>>
        %dma_start3A_63 = tpu.memref_slice %arg3[%min3A_5] : memref<392xi32, #tpu.memory_space<hbm>> -> memref<16xi32, #tpu.memory_space<hbm>>
        %dma_start3A_64 = tpu.memref_slice %arg3[%min3A_5] : memref<392xi32, #tpu.memory_space<hbm>> -> memref<16xi32, #tpu.memory_space<hbm>>
        tpu.enqueue_dma source(%dma_start3A_64 : memref<16xi32, #tpu.memory_space<hbm>>) target(%arg7 : memref<16xi32, #tpu.memory_space<vmem>>) target_semaphore(%run_scoped3A : memref<!tpu.dma_semaphore, #tpu.memory_space<semaphore_mem>>)
        %dma_wait3A_65 = tpu.memref_slice %arg3[%min3A_5] : memref<392xi32, #tpu.memory_space<hbm>> -> memref<16xi32, #tpu.memory_space<hbm>>
        %dma_wait3A_66 = tpu.memref_slice %arg3[%min3A_5] : memref<392xi32, #tpu.memory_space<hbm>> -> memref<16xi32, #tpu.memory_space<hbm>>
        tpu.wait_dma2 semaphore(%run_scoped3A : memref<!tpu.dma_semaphore, #tpu.memory_space<semaphore_mem>>) src(%dma_wait3A_66 : memref<16xi32, #tpu.memory_space<hbm>>) dst(%arg7 : memref<16xi32, #tpu.memory_space<vmem>>)
        tpu.yield
      }) : () -> ()
      %add3A_9 = arith.constant 16 : i32
      %add3A_10 = arith.addi %min3A_5, %add3A_9 : i32
      "tpu.region"() ({
        %run_scoped3A = tpu.sem_alloc : memref<!tpu.dma_semaphore, #tpu.memory_space<semaphore_mem>>
        %dma_start3A_63 = tpu.memref_slice %arg3[%add3A_10] : memref<392xi32, #tpu.memory_space<hbm>> -> memref<16xi32, #tpu.memory_space<hbm>>
        %dma_start3A_64 = tpu.memref_slice %arg3[%add3A_10] : memref<392xi32, #tpu.memory_space<hbm>> -> memref<16xi32, #tpu.memory_space<hbm>>
        tpu.enqueue_dma source(%dma_start3A_64 : memref<16xi32, #tpu.memory_space<hbm>>) target(%arg8 : memref<16xi32, #tpu.memory_space<vmem>>) target_semaphore(%run_scoped3A : memref<!tpu.dma_semaphore, #tpu.memory_space<semaphore_mem>>)
        %dma_wait3A_65 = tpu.memref_slice %arg3[%add3A_10] : memref<392xi32, #tpu.memory_space<hbm>> -> memref<16xi32, #tpu.memory_space<hbm>>
        %dma_wait3A_66 = tpu.memref_slice %arg3[%add3A_10] : memref<392xi32, #tpu.memory_space<hbm>> -> memref<16xi32, #tpu.memory_space<hbm>>
        tpu.wait_dma2 semaphore(%run_scoped3A : memref<!tpu.dma_semaphore, #tpu.memory_space<semaphore_mem>>) src(%dma_wait3A_66 : memref<16xi32, #tpu.memory_space<hbm>>) dst(%arg8 : memref<16xi32, #tpu.memory_space<vmem>>)
        tpu.yield
      }) : () -> ()
      %dma_start3A_11 = arith.constant 0 : i32
      %dma_start3A_12 = arith.constant 0 : i32
      %dma_start3A_13 = tpu.memref_slice %arg2[%dma_start3A_11, %dma_start3A_12] : memref<512x256xf32, #tpu.memory_space<hbm>> -> memref<512x256xf32, #tpu.memory_space<hbm>>
      tpu.enqueue_indirect_dma source(%dma_start3A_13 : memref<512x256xf32, #tpu.memory_space<hbm>>) target(%arg9 : memref<16x256xf32, #tpu.memory_space<vmem>>) offsets(%arg7 : memref<16xi32, #tpu.memory_space<vmem>>) semaphore(%arg14 : memref<!tpu.dma_semaphore, #tpu.memory_space<semaphore_mem>>)
      %dma_start3A_14 = arith.constant 0 : i32
      %dma_start3A_15 = arith.constant 0 : i32
      %dma_start3A_16 = tpu.memref_slice %arg2[%dma_start3A_14, %dma_start3A_15] : memref<512x256xf32, #tpu.memory_space<hbm>> -> memref<512x256xf32, #tpu.memory_space<hbm>>
      tpu.enqueue_indirect_dma source(%dma_start3A_16 : memref<512x256xf32, #tpu.memory_space<hbm>>) target(%arg10 : memref<16x256xf32, #tpu.memory_space<vmem>>) offsets(%arg8 : memref<16xi32, #tpu.memory_space<vmem>>) semaphore(%arg15 : memref<!tpu.dma_semaphore, #tpu.memory_space<semaphore_mem>>)
      %dma_wait3A = arith.constant 0 : i32
      %dma_wait3A_17 = arith.constant 0 : i32
      %dma_wait3A_18 = tpu.memref_slice %arg2[%dma_wait3A, %dma_wait3A_17] : memref<512x256xf32, #tpu.memory_space<hbm>> -> memref<512x256xf32, #tpu.memory_space<hbm>>
      tpu.wait_indirect_dma semaphore(%arg14 : memref<!tpu.dma_semaphore, #tpu.memory_space<semaphore_mem>>) src(%dma_wait3A_18 : memref<512x256xf32, #tpu.memory_space<hbm>>) dst(%arg9 : memref<16x256xf32, #tpu.memory_space<vmem>>)
      %dma_start3A_19 = arith.constant 0 : i32
      %dma_start3A_20 = tpu.memref_slice %arg5[%min3A_5, %dma_start3A_19] : memref<392x256xf32, #tpu.memory_space<hbm>> -> memref<16x256xf32, #tpu.memory_space<hbm>>
      %dma_start3A_21 = arith.constant 0 : i32
      %dma_start3A_22 = tpu.memref_slice %arg5[%min3A_5, %dma_start3A_21] : memref<392x256xf32, #tpu.memory_space<hbm>> -> memref<16x256xf32, #tpu.memory_space<hbm>>
      tpu.enqueue_dma source(%arg9 : memref<16x256xf32, #tpu.memory_space<vmem>>) target(%dma_start3A_22 : memref<16x256xf32, #tpu.memory_space<hbm>>) target_semaphore(%arg16 : memref<!tpu.dma_semaphore, #tpu.memory_space<semaphore_mem>>)
      %dma_wait3A_23 = arith.constant 0 : i32
      %dma_wait3A_24 = tpu.memref_slice %arg4[%min3A_5, %dma_wait3A_23] : memref<392x256xf32, #tpu.memory_space<hbm>> -> memref<32x256xf32, #tpu.memory_space<hbm>>
      %dma_wait3A_25 = arith.constant 0 : i32
      %dma_wait3A_26 = tpu.memref_slice %arg4[%min3A_5, %dma_wait3A_25] : memref<392x256xf32, #tpu.memory_space<hbm>> -> memref<32x256xf32, #tpu.memory_space<hbm>>
      tpu.wait_dma2 semaphore(%arg13 : memref<!tpu.dma_semaphore, #tpu.memory_space<semaphore_mem>>) src(%dma_wait3A_26 : memref<32x256xf32, #tpu.memory_space<hbm>>) dst(%arg11 : memref<32x256xf32, #tpu.memory_space<vmem>>)
      %scan3A = arith.constant 0 : i32
      %scan3A_27 = arith.constant 0 : i32
      %scan3A_28 = arith.constant 16 : i32
      %scan3A_29 = arith.addi %scan3A_27, %scan3A_28 : i32
      %scan3A_30 = arith.constant 1 : i32
      scf.for %scan3A_63 = %scan3A_27 to %scan3A_29 step %scan3A_30  : i32 {
        %get3A = arith.index_cast %scan3A_63 : i32 to index
        %get3A_64 = arith.constant 0 : index
        %get3A_65 = tpu.vector_load %arg9[%get3A, %get3A_64] {strides = array<i32>} : memref<16x256xf32, #tpu.memory_space<vmem>>, vector<1x16xf32>,
        %get3A_66 = vector.shape_cast %get3A_65 : vector<1x16xf32> to vector<16xf32>
        %add3A_67 = arith.constant 0 : i32
        %add3A_68 = arith.addi %add3A_67, %scan3A_63 : i32
        %get3A_69 = arith.index_cast %add3A_68 : i32 to index
        %get3A_70 = arith.constant 0 : index
        %get3A_71 = tpu.vector_load %arg11[%get3A_69, %get3A_70] {strides = array<i32>} : memref<32x256xf32, #tpu.memory_space<vmem>>, vector<1x16xf32>,
        %get3A_72 = vector.shape_cast %get3A_71 : vector<1x16xf32> to vector<16xf32>
        %sub3A = arith.subf %get3A_66, %get3A_72 : vector<16xf32>
        %mul3A_73 = arith.mulf %sub3A, %sub3A : vector<16xf32>
        %add3A_74 = arith.constant 0 : i32
        %add3A_75 = arith.addi %add3A_74, %scan3A_63 : i32
        %swap3A = arith.index_cast %add3A_75 : i32 to index
        %swap3A_76 = arith.constant 0 : index
        %swap3A_77 = tpu.vector_load %arg12[%swap3A, %swap3A_76] {strides = array<i32>} : memref<32x256xf32, #tpu.memory_space<vmem>>, vector<1x16xf32>,
        %swap3A_78 = vector.shape_cast %swap3A_77 : vector<1x16xf32> to vector<16xf32>
        %swap3A_79 = vector.shape_cast %mul3A_73 : vector<16xf32> to vector<1x16xf32>
        tpu.vector_store %arg12[%swap3A, %swap3A_76], %swap3A_79 {strides = array<i32>} : memref<32x256xf32, #tpu.memory_space<vmem>>, vector<1x16xf32>,
        %get3A_80 = arith.index_cast %scan3A_63 : i32 to index
        %get3A_81 = arith.constant 16 : index
        %get3A_82 = tpu.vector_load %arg9[%get3A_80, %get3A_81] {strides = array<i32>} : memref<16x256xf32, #tpu.memory_space<vmem>>, vector<1x16xf32>,
        %get3A_83 = vector.shape_cast %get3A_82 : vector<1x16xf32> to vector<16xf32>
        %add3A_84 = arith.constant 0 : i32
        %add3A_85 = arith.addi %add3A_84, %scan3A_63 : i32
        %get3A_86 = arith.index_cast %add3A_85 : i32 to index
        %get3A_87 = arith.constant 16 : index
        %get3A_88 = tpu.vector_load %arg11[%get3A_86, %get3A_87] {strides = array<i32>} : memref<32x256xf32, #tpu.memory_space<vmem>>, vector<1x16xf32>,
        %get3A_89 = vector.shape_cast %get3A_88 : vector<1x16xf32> to vector<16xf32>
        %sub3A_90 = arith.subf %get3A_83, %get3A_89 : vector<16xf32>
        %mul3A_91 = arith.mulf %sub3A_90, %sub3A_90 : vector<16xf32>
        %add3A_92 = arith.constant 0 : i32
        %add3A_93 = arith.addi %add3A_92, %scan3A_63 : i32
        %swap3A_94 = arith.index_cast %add3A_93 : i32 to index
        %swap3A_95 = arith.constant 16 : index
        %swap3A_96 = tpu.vector_load %arg12[%swap3A_94, %swap3A_95] {strides = array<i32>} : memref<32x256xf32, #tpu.memory_space<vmem>>, vector<1x16xf32>,
        %swap3A_97 = vector.shape_cast %swap3A_96 : vector<1x16xf32> to vector<16xf32>
        %swap3A_98 = vector.shape_cast %mul3A_91 : vector<16xf32> to vector<1x16xf32>
        tpu.vector_store %arg12[%swap3A_94, %swap3A_95], %swap3A_98 {strides = array<i32>} : memref<32x256xf32, #tpu.memory_space<vmem>>, vector<1x16xf32>,
        %get3A_99 = arith.index_cast %scan3A_63 : i32 to index
        %get3A_100 = arith.constant 32 : index
        %get3A_101 = tpu.vector_load %arg9[%get3A_99, %get3A_100] {strides = array<i32>} : memref<16x256xf32, #tpu.memory_space<vmem>>, vector<1x16xf32>,
        %get3A_102 = vector.shape_cast %get3A_101 : vector<1x16xf32> to vector<16xf32>
        %add3A_103 = arith.constant 0 : i32
        %add3A_104 = arith.addi %add3A_103, %scan3A_63 : i32
        %get3A_105 = arith.index_cast %add3A_104 : i32 to index
        %get3A_106 = arith.constant 32 : index
        %get3A_107 = tpu.vector_load %arg11[%get3A_105, %get3A_106] {strides = array<i32>} : memref<32x256xf32, #tpu.memory_space<vmem>>, vector<1x16xf32>,
        %get3A_108 = vector.shape_cast %get3A_107 : vector<1x16xf32> to vector<16xf32>
        %sub3A_109 = arith.subf %get3A_102, %get3A_108 : vector<16xf32>
        %mul3A_110 = arith.mulf %sub3A_109, %sub3A_109 : vector<16xf32>
        %add3A_111 = arith.constant 0 : i32
        %add3A_112 = arith.addi %add3A_111, %scan3A_63 : i32
        %swap3A_113 = arith.index_cast %add3A_112 : i32 to index
        %swap3A_114 = arith.constant 32 : index
        %swap3A_115 = tpu.vector_load %arg12[%swap3A_113, %swap3A_114] {strides = array<i32>} : memref<32x256xf32, #tpu.memory_space<vmem>>, vector<1x16xf32>,
        %swap3A_116 = vector.shape_cast %swap3A_115 : vector<1x16xf32> to vector<16xf32>
        %swap3A_117 = vector.shape_cast %mul3A_110 : vector<16xf32> to vector<1x16xf32>
        tpu.vector_store %arg12[%swap3A_113, %swap3A_114], %swap3A_117 {strides = array<i32>} : memref<32x256xf32, #tpu.memory_space<vmem>>, vector<1x16xf32>,
        %get3A_118 = arith.index_cast %scan3A_63 : i32 to index
        %get3A_119 = arith.constant 48 : index
        %get3A_120 = tpu.vector_load %arg9[%get3A_118, %get3A_119] {strides = array<i32>} : memref<16x256xf32, #tpu.memory_space<vmem>>, vector<1x16xf32>,
        %get3A_121 = vector.shape_cast %get3A_120 : vector<1x16xf32> to vector<16xf32>
        %add3A_122 = arith.constant 0 : i32
        %add3A_123 = arith.addi %add3A_122, %scan3A_63 : i32
        %get3A_124 = arith.index_cast %add3A_123 : i32 to index
        %get3A_125 = arith.constant 48 : index
        %get3A_126 = tpu.vector_load %arg11[%get3A_124, %get3A_125] {strides = array<i32>} : memref<32x256xf32, #tpu.memory_space<vmem>>, vector<1x16xf32>,
        %get3A_127 = vector.shape_cast %get3A_126 : vector<1x16xf32> to vector<16xf32>
        %sub3A_128 = arith.subf %get3A_121, %get3A_127 : vector<16xf32>
        %mul3A_129 = arith.mulf %sub3A_128, %sub3A_128 : vector<16xf32>
        %add3A_130 = arith.constant 0 : i32
        %add3A_131 = arith.addi %add3A_130, %scan3A_63 : i32
        %swap3A_132 = arith.index_cast %add3A_131 : i32 to index
        %swap3A_133 = arith.constant 48 : index
        %swap3A_134 = tpu.vector_load %arg12[%swap3A_132, %swap3A_133] {strides = array<i32>} : memref<32x256xf32, #tpu.memory_space<vmem>>, vector<1x16xf32>,
        %swap3A_135 = vector.shape_cast %swap3A_134 : vector<1x16xf32> to vector<16xf32>
        %swap3A_136 = vector.shape_cast %mul3A_129 : vector<16xf32> to vector<1x16xf32>
        tpu.vector_store %arg12[%swap3A_132, %swap3A_133], %swap3A_136 {strides = array<i32>} : memref<32x256xf32, #tpu.memory_space<vmem>>, vector<1x16xf32>,
        %get3A_137 = arith.index_cast %scan3A_63 : i32 to index
        %get3A_138 = arith.constant 64 : index
        %get3A_139 = tpu.vector_load %arg9[%get3A_137, %get3A_138] {strides = array<i32>} : memref<16x256xf32, #tpu.memory_space<vmem>>, vector<1x16xf32>,
        %get3A_140 = vector.shape_cast %get3A_139 : vector<1x16xf32> to vector<16xf32>
        %add3A_141 = arith.constant 0 : i32
        %add3A_142 = arith.addi %add3A_141, %scan3A_63 : i32
        %get3A_143 = arith.index_cast %add3A_142 : i32 to index
        %get3A_144 = arith.constant 64 : index
        %get3A_145 = tpu.vector_load %arg11[%get3A_143, %get3A_144] {strides = array<i32>} : memref<32x256xf32, #tpu.memory_space<vmem>>, vector<1x16xf32>,
        %get3A_146 = vector.shape_cast %get3A_145 : vector<1x16xf32> to vector<16xf32>
        %sub3A_147 = arith.subf %get3A_140, %get3A_146 : vector<16xf32>
        %mul3A_148 = arith.mulf %sub3A_147, %sub3A_147 : vector<16xf32>
        %add3A_149 = arith.constant 0 : i32
        %add3A_150 = arith.addi %add3A_149, %scan3A_63 : i32
        %swap3A_151 = arith.index_cast %add3A_150 : i32 to index
        %swap3A_152 = arith.constant 64 : index
        %swap3A_153 = tpu.vector_load %arg12[%swap3A_151, %swap3A_152] {strides = array<i32>} : memref<32x256xf32, #tpu.memory_space<vmem>>, vector<1x16xf32>,
        %swap3A_154 = vector.shape_cast %swap3A_153 : vector<1x16xf32> to vector<16xf32>
        %swap3A_155 = vector.shape_cast %mul3A_148 : vector<16xf32> to vector<1x16xf32>
        tpu.vector_store %arg12[%swap3A_151, %swap3A_152], %swap3A_155 {strides = array<i32>} : memref<32x256xf32, #tpu.memory_space<vmem>>, vector<1x16xf32>,
        %get3A_156 = arith.index_cast %scan3A_63 : i32 to index
        %get3A_157 = arith.constant 80 : index
        %get3A_158 = tpu.vector_load %arg9[%get3A_156, %get3A_157] {strides = array<i32>} : memref<16x256xf32, #tpu.memory_space<vmem>>, vector<1x16xf32>,
        %get3A_159 = vector.shape_cast %get3A_158 : vector<1x16xf32> to vector<16xf32>
        %add3A_160 = arith.constant 0 : i32
        %add3A_161 = arith.addi %add3A_160, %scan3A_63 : i32
        %get3A_162 = arith.index_cast %add3A_161 : i32 to index
        %get3A_163 = arith.constant 80 : index
        %get3A_164 = tpu.vector_load %arg11[%get3A_162, %get3A_163] {strides = array<i32>} : memref<32x256xf32, #tpu.memory_space<vmem>>, vector<1x16xf32>,
        %get3A_165 = vector.shape_cast %get3A_164 : vector<1x16xf32> to vector<16xf32>
        %sub3A_166 = arith.subf %get3A_159, %get3A_165 : vector<16xf32>
        %mul3A_167 = arith.mulf %sub3A_166, %sub3A_166 : vector<16xf32>
        %add3A_168 = arith.constant 0 : i32
        %add3A_169 = arith.addi %add3A_168, %scan3A_63 : i32
        %swap3A_170 = arith.index_cast %add3A_169 : i32 to index
        %swap3A_171 = arith.constant 80 : index
        %swap3A_172 = tpu.vector_load %arg12[%swap3A_170, %swap3A_171] {strides = array<i32>} : memref<32x256xf32, #tpu.memory_space<vmem>>, vector<1x16xf32>,
        %swap3A_173 = vector.shape_cast %swap3A_172 : vector<1x16xf32> to vector<16xf32>
        %swap3A_174 = vector.shape_cast %mul3A_167 : vector<16xf32> to vector<1x16xf32>
        tpu.vector_store %arg12[%swap3A_170, %swap3A_171], %swap3A_174 {strides = array<i32>} : memref<32x256xf32, #tpu.memory_space<vmem>>, vector<1x16xf32>,
        %get3A_175 = arith.index_cast %scan3A_63 : i32 to index
        %get3A_176 = arith.constant 96 : index
        %get3A_177 = tpu.vector_load %arg9[%get3A_175, %get3A_176] {strides = array<i32>} : memref<16x256xf32, #tpu.memory_space<vmem>>, vector<1x16xf32>,
        %get3A_178 = vector.shape_cast %get3A_177 : vector<1x16xf32> to vector<16xf32>
        %add3A_179 = arith.constant 0 : i32
        %add3A_180 = arith.addi %add3A_179, %scan3A_63 : i32
        %get3A_181 = arith.index_cast %add3A_180 : i32 to index
        %get3A_182 = arith.constant 96 : index
        %get3A_183 = tpu.vector_load %arg11[%get3A_181, %get3A_182] {strides = array<i32>} : memref<32x256xf32, #tpu.memory_space<vmem>>, vector<1x16xf32>,
        %get3A_184 = vector.shape_cast %get3A_183 : vector<1x16xf32> to vector<16xf32>
        %sub3A_185 = arith.subf %get3A_178, %get3A_184 : vector<16xf32>
        %mul3A_186 = arith.mulf %sub3A_185, %sub3A_185 : vector<16xf32>
        %add3A_187 = arith.constant 0 : i32
        %add3A_188 = arith.addi %add3A_187, %scan3A_63 : i32
        %swap3A_189 = arith.index_cast %add3A_188 : i32 to index
        %swap3A_190 = arith.constant 96 : index
        %swap3A_191 = tpu.vector_load %arg12[%swap3A_189, %swap3A_190] {strides = array<i32>} : memref<32x256xf32, #tpu.memory_space<vmem>>, vector<1x16xf32>,
        %swap3A_192 = vector.shape_cast %swap3A_191 : vector<1x16xf32> to vector<16xf32>
        %swap3A_193 = vector.shape_cast %mul3A_186 : vector<16xf32> to vector<1x16xf32>
        tpu.vector_store %arg12[%swap3A_189, %swap3A_190], %swap3A_193 {strides = array<i32>} : memref<32x256xf32, #tpu.memory_space<vmem>>, vector<1x16xf32>,
        %get3A_194 = arith.index_cast %scan3A_63 : i32 to index
        %get3A_195 = arith.constant 112 : index
        %get3A_196 = tpu.vector_load %arg9[%get3A_194, %get3A_195] {strides = array<i32>} : memref<16x256xf32, #tpu.memory_space<vmem>>, vector<1x16xf32>,
        %get3A_197 = vector.shape_cast %get3A_196 : vector<1x16xf32> to vector<16xf32>
        %add3A_198 = arith.constant 0 : i32
        %add3A_199 = arith.addi %add3A_198, %scan3A_63 : i32
        %get3A_200 = arith.index_cast %add3A_199 : i32 to index
        %get3A_201 = arith.constant 112 : index
        %get3A_202 = tpu.vector_load %arg11[%get3A_200, %get3A_201] {strides = array<i32>} : memref<32x256xf32, #tpu.memory_space<vmem>>, vector<1x16xf32>,
        %get3A_203 = vector.shape_cast %get3A_202 : vector<1x16xf32> to vector<16xf32>
        %sub3A_204 = arith.subf %get3A_197, %get3A_203 : vector<16xf32>
        %mul3A_205 = arith.mulf %sub3A_204, %sub3A_204 : vector<16xf32>
        %add3A_206 = arith.constant 0 : i32
        %add3A_207 = arith.addi %add3A_206, %scan3A_63 : i32
        %swap3A_208 = arith.index_cast %add3A_207 : i32 to index
        %swap3A_209 = arith.constant 112 : index
        %swap3A_210 = tpu.vector_load %arg12[%swap3A_208, %swap3A_209] {strides = array<i32>} : memref<32x256xf32, #tpu.memory_space<vmem>>, vector<1x16xf32>,
        %swap3A_211 = vector.shape_cast %swap3A_210 : vector<1x16xf32> to vector<16xf32>
        %swap3A_212 = vector.shape_cast %mul3A_205 : vector<16xf32> to vector<1x16xf32>
        tpu.vector_store %arg12[%swap3A_208, %swap3A_209], %swap3A_212 {strides = array<i32>} : memref<32x256xf32, #tpu.memory_space<vmem>>, vector<1x16xf32>,
        %get3A_213 = arith.index_cast %scan3A_63 : i32 to index
        %get3A_214 = arith.constant 128 : index
        %get3A_215 = tpu.vector_load %arg9[%get3A_213, %get3A_214] {strides = array<i32>} : memref<16x256xf32, #tpu.memory_space<vmem>>, vector<1x16xf32>,
        %get3A_216 = vector.shape_cast %get3A_215 : vector<1x16xf32> to vector<16xf32>
        %add3A_217 = arith.constant 0 : i32
        %add3A_218 = arith.addi %add3A_217, %scan3A_63 : i32
        %get3A_219 = arith.index_cast %add3A_218 : i32 to index
        %get3A_220 = arith.constant 128 : index
        %get3A_221 = tpu.vector_load %arg11[%get3A_219, %get3A_220] {strides = array<i32>} : memref<32x256xf32, #tpu.memory_space<vmem>>, vector<1x16xf32>,
        %get3A_222 = vector.shape_cast %get3A_221 : vector<1x16xf32> to vector<16xf32>
        %sub3A_223 = arith.subf %get3A_216, %get3A_222 : vector<16xf32>
        %mul3A_224 = arith.mulf %sub3A_223, %sub3A_223 : vector<16xf32>
        %add3A_225 = arith.constant 0 : i32
        %add3A_226 = arith.addi %add3A_225, %scan3A_63 : i32
        %swap3A_227 = arith.index_cast %add3A_226 : i32 to index
        %swap3A_228 = arith.constant 128 : index
        %swap3A_229 = tpu.vector_load %arg12[%swap3A_227, %swap3A_228] {strides = array<i32>} : memref<32x256xf32, #tpu.memory_space<vmem>>, vector<1x16xf32>,
        %swap3A_230 = vector.shape_cast %swap3A_229 : vector<1x16xf32> to vector<16xf32>
        %swap3A_231 = vector.shape_cast %mul3A_224 : vector<16xf32> to vector<1x16xf32>
        tpu.vector_store %arg12[%swap3A_227, %swap3A_228], %swap3A_231 {strides = array<i32>} : memref<32x256xf32, #tpu.memory_space<vmem>>, vector<1x16xf32>,
        %get3A_232 = arith.index_cast %scan3A_63 : i32 to index
        %get3A_233 = arith.constant 144 : index
        %get3A_234 = tpu.vector_load %arg9[%get3A_232, %get3A_233] {strides = array<i32>} : memref<16x256xf32, #tpu.memory_space<vmem>>, vector<1x16xf32>,
        %get3A_235 = vector.shape_cast %get3A_234 : vector<1x16xf32> to vector<16xf32>
        %add3A_236 = arith.constant 0 : i32
        %add3A_237 = arith.addi %add3A_236, %scan3A_63 : i32
        %get3A_238 = arith.index_cast %add3A_237 : i32 to index
        %get3A_239 = arith.constant 144 : index
        %get3A_240 = tpu.vector_load %arg11[%get3A_238, %get3A_239] {strides = array<i32>} : memref<32x256xf32, #tpu.memory_space<vmem>>, vector<1x16xf32>,
        %get3A_241 = vector.shape_cast %get3A_240 : vector<1x16xf32> to vector<16xf32>
        %sub3A_242 = arith.subf %get3A_235, %get3A_241 : vector<16xf32>
        %mul3A_243 = arith.mulf %sub3A_242, %sub3A_242 : vector<16xf32>
        %add3A_244 = arith.constant 0 : i32
        %add3A_245 = arith.addi %add3A_244, %scan3A_63 : i32
        %swap3A_246 = arith.index_cast %add3A_245 : i32 to index
        %swap3A_247 = arith.constant 144 : index
        %swap3A_248 = tpu.vector_load %arg12[%swap3A_246, %swap3A_247] {strides = array<i32>} : memref<32x256xf32, #tpu.memory_space<vmem>>, vector<1x16xf32>,
        %swap3A_249 = vector.shape_cast %swap3A_248 : vector<1x16xf32> to vector<16xf32>
        %swap3A_250 = vector.shape_cast %mul3A_243 : vector<16xf32> to vector<1x16xf32>
        tpu.vector_store %arg12[%swap3A_246, %swap3A_247], %swap3A_250 {strides = array<i32>} : memref<32x256xf32, #tpu.memory_space<vmem>>, vector<1x16xf32>,
        %get3A_251 = arith.index_cast %scan3A_63 : i32 to index
        %get3A_252 = arith.constant 160 : index
        %get3A_253 = tpu.vector_load %arg9[%get3A_251, %get3A_252] {strides = array<i32>} : memref<16x256xf32, #tpu.memory_space<vmem>>, vector<1x16xf32>,
        %get3A_254 = vector.shape_cast %get3A_253 : vector<1x16xf32> to vector<16xf32>
        %add3A_255 = arith.constant 0 : i32
        %add3A_256 = arith.addi %add3A_255, %scan3A_63 : i32
        %get3A_257 = arith.index_cast %add3A_256 : i32 to index
        %get3A_258 = arith.constant 160 : index
        %get3A_259 = tpu.vector_load %arg11[%get3A_257, %get3A_258] {strides = array<i32>} : memref<32x256xf32, #tpu.memory_space<vmem>>, vector<1x16xf32>,
        %get3A_260 = vector.shape_cast %get3A_259 : vector<1x16xf32> to vector<16xf32>
        %sub3A_261 = arith.subf %get3A_254, %get3A_260 : vector<16xf32>
        %mul3A_262 = arith.mulf %sub3A_261, %sub3A_261 : vector<16xf32>
        %add3A_263 = arith.constant 0 : i32
        %add3A_264 = arith.addi %add3A_263, %scan3A_63 : i32
        %swap3A_265 = arith.index_cast %add3A_264 : i32 to index
        %swap3A_266 = arith.constant 160 : index
        %swap3A_267 = tpu.vector_load %arg12[%swap3A_265, %swap3A_266] {strides = array<i32>} : memref<32x256xf32, #tpu.memory_space<vmem>>, vector<1x16xf32>,
        %swap3A_268 = vector.shape_cast %swap3A_267 : vector<1x16xf32> to vector<16xf32>
        %swap3A_269 = vector.shape_cast %mul3A_262 : vector<16xf32> to vector<1x16xf32>
        tpu.vector_store %arg12[%swap3A_265, %swap3A_266], %swap3A_269 {strides = array<i32>} : memref<32x256xf32, #tpu.memory_space<vmem>>, vector<1x16xf32>,
        %get3A_270 = arith.index_cast %scan3A_63 : i32 to index
        %get3A_271 = arith.constant 176 : index
        %get3A_272 = tpu.vector_load %arg9[%get3A_270, %get3A_271] {strides = array<i32>} : memref<16x256xf32, #tpu.memory_space<vmem>>, vector<1x16xf32>,
        %get3A_273 = vector.shape_cast %get3A_272 : vector<1x16xf32> to vector<16xf32>
        %add3A_274 = arith.constant 0 : i32
        %add3A_275 = arith.addi %add3A_274, %scan3A_63 : i32
        %get3A_276 = arith.index_cast %add3A_275 : i32 to index
        %get3A_277 = arith.constant 176 : index
        %get3A_278 = tpu.vector_load %arg11[%get3A_276, %get3A_277] {strides = array<i32>} : memref<32x256xf32, #tpu.memory_space<vmem>>, vector<1x16xf32>,
        %get3A_279 = vector.shape_cast %get3A_278 : vector<1x16xf32> to vector<16xf32>
        %sub3A_280 = arith.subf %get3A_273, %get3A_279 : vector<16xf32>
        %mul3A_281 = arith.mulf %sub3A_280, %sub3A_280 : vector<16xf32>
        %add3A_282 = arith.constant 0 : i32
        %add3A_283 = arith.addi %add3A_282, %scan3A_63 : i32
        %swap3A_284 = arith.index_cast %add3A_283 : i32 to index
        %swap3A_285 = arith.constant 176 : index
        %swap3A_286 = tpu.vector_load %arg12[%swap3A_284, %swap3A_285] {strides = array<i32>} : memref<32x256xf32, #tpu.memory_space<vmem>>, vector<1x16xf32>,
        %swap3A_287 = vector.shape_cast %swap3A_286 : vector<1x16xf32> to vector<16xf32>
        %swap3A_288 = vector.shape_cast %mul3A_281 : vector<16xf32> to vector<1x16xf32>
        tpu.vector_store %arg12[%swap3A_284, %swap3A_285], %swap3A_288 {strides = array<i32>} : memref<32x256xf32, #tpu.memory_space<vmem>>, vector<1x16xf32>,
        %get3A_289 = arith.index_cast %scan3A_63 : i32 to index
        %get3A_290 = arith.constant 192 : index
        %get3A_291 = tpu.vector_load %arg9[%get3A_289, %get3A_290] {strides = array<i32>} : memref<16x256xf32, #tpu.memory_space<vmem>>, vector<1x16xf32>,
        %get3A_292 = vector.shape_cast %get3A_291 : vector<1x16xf32> to vector<16xf32>
        %add3A_293 = arith.constant 0 : i32
        %add3A_294 = arith.addi %add3A_293, %scan3A_63 : i32
        %get3A_295 = arith.index_cast %add3A_294 : i32 to index
        %get3A_296 = arith.constant 192 : index
        %get3A_297 = tpu.vector_load %arg11[%get3A_295, %get3A_296] {strides = array<i32>} : memref<32x256xf32, #tpu.memory_space<vmem>>, vector<1x16xf32>,
        %get3A_298 = vector.shape_cast %get3A_297 : vector<1x16xf32> to vector<16xf32>
        %sub3A_299 = arith.subf %get3A_292, %get3A_298 : vector<16xf32>
        %mul3A_300 = arith.mulf %sub3A_299, %sub3A_299 : vector<16xf32>
        %add3A_301 = arith.constant 0 : i32
        %add3A_302 = arith.addi %add3A_301, %scan3A_63 : i32
        %swap3A_303 = arith.index_cast %add3A_302 : i32 to index
        %swap3A_304 = arith.constant 192 : index
        %swap3A_305 = tpu.vector_load %arg12[%swap3A_303, %swap3A_304] {strides = array<i32>} : memref<32x256xf32, #tpu.memory_space<vmem>>, vector<1x16xf32>,
        %swap3A_306 = vector.shape_cast %swap3A_305 : vector<1x16xf32> to vector<16xf32>
        %swap3A_307 = vector.shape_cast %mul3A_300 : vector<16xf32> to vector<1x16xf32>
        tpu.vector_store %arg12[%swap3A_303, %swap3A_304], %swap3A_307 {strides = array<i32>} : memref<32x256xf32, #tpu.memory_space<vmem>>, vector<1x16xf32>,
        %get3A_308 = arith.index_cast %scan3A_63 : i32 to index
        %get3A_309 = arith.constant 208 : index
        %get3A_310 = tpu.vector_load %arg9[%get3A_308, %get3A_309] {strides = array<i32>} : memref<16x256xf32, #tpu.memory_space<vmem>>, vector<1x16xf32>,
        %get3A_311 = vector.shape_cast %get3A_310 : vector<1x16xf32> to vector<16xf32>
        %add3A_312 = arith.constant 0 : i32
        %add3A_313 = arith.addi %add3A_312, %scan3A_63 : i32
        %get3A_314 = arith.index_cast %add3A_313 : i32 to index
        %get3A_315 = arith.constant 208 : index
        %get3A_316 = tpu.vector_load %arg11[%get3A_314, %get3A_315] {strides = array<i32>} : memref<32x256xf32, #tpu.memory_space<vmem>>, vector<1x16xf32>,
        %get3A_317 = vector.shape_cast %get3A_316 : vector<1x16xf32> to vector<16xf32>
        %sub3A_318 = arith.subf %get3A_311, %get3A_317 : vector<16xf32>
        %mul3A_319 = arith.mulf %sub3A_318, %sub3A_318 : vector<16xf32>
        %add3A_320 = arith.constant 0 : i32
        %add3A_321 = arith.addi %add3A_320, %scan3A_63 : i32
        %swap3A_322 = arith.index_cast %add3A_321 : i32 to index
        %swap3A_323 = arith.constant 208 : index
        %swap3A_324 = tpu.vector_load %arg12[%swap3A_322, %swap3A_323] {strides = array<i32>} : memref<32x256xf32, #tpu.memory_space<vmem>>, vector<1x16xf32>,
        %swap3A_325 = vector.shape_cast %swap3A_324 : vector<1x16xf32> to vector<16xf32>
        %swap3A_326 = vector.shape_cast %mul3A_319 : vector<16xf32> to vector<1x16xf32>
        tpu.vector_store %arg12[%swap3A_322, %swap3A_323], %swap3A_326 {strides = array<i32>} : memref<32x256xf32, #tpu.memory_space<vmem>>, vector<1x16xf32>,
        %get3A_327 = arith.index_cast %scan3A_63 : i32 to index
        %get3A_328 = arith.constant 224 : index
        %get3A_329 = tpu.vector_load %arg9[%get3A_327, %get3A_328] {strides = array<i32>} : memref<16x256xf32, #tpu.memory_space<vmem>>, vector<1x16xf32>,
        %get3A_330 = vector.shape_cast %get3A_329 : vector<1x16xf32> to vector<16xf32>
        %add3A_331 = arith.constant 0 : i32
        %add3A_332 = arith.addi %add3A_331, %scan3A_63 : i32
        %get3A_333 = arith.index_cast %add3A_332 : i32 to index
        %get3A_334 = arith.constant 224 : index
        %get3A_335 = tpu.vector_load %arg11[%get3A_333, %get3A_334] {strides = array<i32>} : memref<32x256xf32, #tpu.memory_space<vmem>>, vector<1x16xf32>,
        %get3A_336 = vector.shape_cast %get3A_335 : vector<1x16xf32> to vector<16xf32>
        %sub3A_337 = arith.subf %get3A_330, %get3A_336 : vector<16xf32>
        %mul3A_338 = arith.mulf %sub3A_337, %sub3A_337 : vector<16xf32>
        %add3A_339 = arith.constant 0 : i32
        %add3A_340 = arith.addi %add3A_339, %scan3A_63 : i32
        %swap3A_341 = arith.index_cast %add3A_340 : i32 to index
        %swap3A_342 = arith.constant 224 : index
        %swap3A_343 = tpu.vector_load %arg12[%swap3A_341, %swap3A_342] {strides = array<i32>} : memref<32x256xf32, #tpu.memory_space<vmem>>, vector<1x16xf32>,
        %swap3A_344 = vector.shape_cast %swap3A_343 : vector<1x16xf32> to vector<16xf32>
        %swap3A_345 = vector.shape_cast %mul3A_338 : vector<16xf32> to vector<1x16xf32>
        tpu.vector_store %arg12[%swap3A_341, %swap3A_342], %swap3A_345 {strides = array<i32>} : memref<32x256xf32, #tpu.memory_space<vmem>>, vector<1x16xf32>,
        %get3A_346 = arith.index_cast %scan3A_63 : i32 to index
        %get3A_347 = arith.constant 240 : index
        %get3A_348 = tpu.vector_load %arg9[%get3A_346, %get3A_347] {strides = array<i32>} : memref<16x256xf32, #tpu.memory_space<vmem>>, vector<1x16xf32>,
        %get3A_349 = vector.shape_cast %get3A_348 : vector<1x16xf32> to vector<16xf32>
        %add3A_350 = arith.constant 0 : i32
        %add3A_351 = arith.addi %add3A_350, %scan3A_63 : i32
        %get3A_352 = arith.index_cast %add3A_351 : i32 to index
        %get3A_353 = arith.constant 240 : index
        %get3A_354 = tpu.vector_load %arg11[%get3A_352, %get3A_353] {strides = array<i32>} : memref<32x256xf32, #tpu.memory_space<vmem>>, vector<1x16xf32>,
        %get3A_355 = vector.shape_cast %get3A_354 : vector<1x16xf32> to vector<16xf32>
        %sub3A_356 = arith.subf %get3A_349, %get3A_355 : vector<16xf32>
        %mul3A_357 = arith.mulf %sub3A_356, %sub3A_356 : vector<16xf32>
        %add3A_358 = arith.constant 0 : i32
        %add3A_359 = arith.addi %add3A_358, %scan3A_63 : i32
        %swap3A_360 = arith.index_cast %add3A_359 : i32 to index
        %swap3A_361 = arith.constant 240 : index
        %swap3A_362 = tpu.vector_load %arg12[%swap3A_360, %swap3A_361] {strides = array<i32>} : memref<32x256xf32, #tpu.memory_space<vmem>>, vector<1x16xf32>,
        %swap3A_363 = vector.shape_cast %swap3A_362 : vector<1x16xf32> to vector<16xf32>
        %swap3A_364 = vector.shape_cast %mul3A_357 : vector<16xf32> to vector<1x16xf32>
        tpu.vector_store %arg12[%swap3A_360, %swap3A_361], %swap3A_364 {strides = array<i32>} : memref<32x256xf32, #tpu.memory_space<vmem>>, vector<1x16xf32>,
      }
      %scan3A_31 = arith.constant 16 : i32
      %dma_wait3A_32 = arith.constant 0 : i32
      %dma_wait3A_33 = arith.constant 0 : i32
      %dma_wait3A_34 = tpu.memref_slice %arg2[%dma_wait3A_32, %dma_wait3A_33] : memref<512x256xf32, #tpu.memory_space<hbm>> -> memref<512x256xf32, #tpu.memory_space<hbm>>
      tpu.wait_indirect_dma semaphore(%arg15 : memref<!tpu.dma_semaphore, #tpu.memory_space<semaphore_mem>>) src(%dma_wait3A_34 : memref<512x256xf32, #tpu.memory_space<hbm>>) dst(%arg10 : memref<16x256xf32, #tpu.memory_space<vmem>>)
      %add3A_35 = arith.constant 16 : i32
      %add3A_36 = arith.addi %min3A_5, %add3A_35 : i32
      %dma_start3A_37 = arith.constant 0 : i32
      %dma_start3A_38 = tpu.memref_slice %arg5[%add3A_36, %dma_start3A_37] : memref<392x256xf32, #tpu.memory_space<hbm>> -> memref<16x256xf32, #tpu.memory_space<hbm>>
      %dma_start3A_39 = arith.constant 0 : i32
      %dma_start3A_40 = tpu.memref_slice %arg5[%add3A_36, %dma_start3A_39] : memref<392x256xf32, #tpu.memory_space<hbm>> -> memref<16x256xf32, #tpu.memory_space<hbm>>
      tpu.enqueue_dma source(%arg10 : memref<16x256xf32, #tpu.memory_space<vmem>>) target(%dma_start3A_40 : memref<16x256xf32, #tpu.memory_space<hbm>>) target_semaphore(%arg16 : memref<!tpu.dma_semaphore, #tpu.memory_space<semaphore_mem>>)
      %scan3A_41 = arith.constant 0 : i32
      %scan3A_42 = arith.constant 0 : i32
      %scan3A_43 = arith.constant 16 : i32
      %scan3A_44 = arith.addi %scan3A_42, %scan3A_43 : i32
      %scan3A_45 = arith.constant 1 : i32
      scf.for %scan3A_63 = %scan3A_42 to %scan3A_44 step %scan3A_45  : i32 {
        %get3A = arith.index_cast %scan3A_63 : i32 to index
        %get3A_64 = arith.constant 0 : index
        %get3A_65 = tpu.vector_load %arg10[%get3A, %get3A_64] {strides = array<i32>} : memref<16x256xf32, #tpu.memory_space<vmem>>, vector<1x16xf32>,
        %get3A_66 = vector.shape_cast %get3A_65 : vector<1x16xf32> to vector<16xf32>
        %add3A_67 = arith.constant 16 : i32
        %add3A_68 = arith.addi %add3A_67, %scan3A_63 : i32
        %get3A_69 = arith.index_cast %add3A_68 : i32 to index
        %get3A_70 = arith.constant 0 : index
        %get3A_71 = tpu.vector_load %arg11[%get3A_69, %get3A_70] {strides = array<i32>} : memref<32x256xf32, #tpu.memory_space<vmem>>, vector<1x16xf32>,
        %get3A_72 = vector.shape_cast %get3A_71 : vector<1x16xf32> to vector<16xf32>
        %sub3A = arith.subf %get3A_66, %get3A_72 : vector<16xf32>
        %mul3A_73 = arith.mulf %sub3A, %sub3A : vector<16xf32>
        %add3A_74 = arith.constant 16 : i32
        %add3A_75 = arith.addi %add3A_74, %scan3A_63 : i32
        %swap3A = arith.index_cast %add3A_75 : i32 to index
        %swap3A_76 = arith.constant 0 : index
        %swap3A_77 = tpu.vector_load %arg12[%swap3A, %swap3A_76] {strides = array<i32>} : memref<32x256xf32, #tpu.memory_space<vmem>>, vector<1x16xf32>,
        %swap3A_78 = vector.shape_cast %swap3A_77 : vector<1x16xf32> to vector<16xf32>
        %swap3A_79 = vector.shape_cast %mul3A_73 : vector<16xf32> to vector<1x16xf32>
        tpu.vector_store %arg12[%swap3A, %swap3A_76], %swap3A_79 {strides = array<i32>} : memref<32x256xf32, #tpu.memory_space<vmem>>, vector<1x16xf32>,
        %get3A_80 = arith.index_cast %scan3A_63 : i32 to index
        %get3A_81 = arith.constant 16 : index
        %get3A_82 = tpu.vector_load %arg10[%get3A_80, %get3A_81] {strides = array<i32>} : memref<16x256xf32, #tpu.memory_space<vmem>>, vector<1x16xf32>,
        %get3A_83 = vector.shape_cast %get3A_82 : vector<1x16xf32> to vector<16xf32>
        %add3A_84 = arith.constant 16 : i32
        %add3A_85 = arith.addi %add3A_84, %scan3A_63 : i32
        %get3A_86 = arith.index_cast %add3A_85 : i32 to index
        %get3A_87 = arith.constant 16 : index
        %get3A_88 = tpu.vector_load %arg11[%get3A_86, %get3A_87] {strides = array<i32>} : memref<32x256xf32, #tpu.memory_space<vmem>>, vector<1x16xf32>,
        %get3A_89 = vector.shape_cast %get3A_88 : vector<1x16xf32> to vector<16xf32>
        %sub3A_90 = arith.subf %get3A_83, %get3A_89 : vector<16xf32>
        %mul3A_91 = arith.mulf %sub3A_90, %sub3A_90 : vector<16xf32>
        %add3A_92 = arith.constant 16 : i32
        %add3A_93 = arith.addi %add3A_92, %scan3A_63 : i32
        %swap3A_94 = arith.index_cast %add3A_93 : i32 to index
        %swap3A_95 = arith.constant 16 : index
        %swap3A_96 = tpu.vector_load %arg12[%swap3A_94, %swap3A_95] {strides = array<i32>} : memref<32x256xf32, #tpu.memory_space<vmem>>, vector<1x16xf32>,
        %swap3A_97 = vector.shape_cast %swap3A_96 : vector<1x16xf32> to vector<16xf32>
        %swap3A_98 = vector.shape_cast %mul3A_91 : vector<16xf32> to vector<1x16xf32>
        tpu.vector_store %arg12[%swap3A_94, %swap3A_95], %swap3A_98 {strides = array<i32>} : memref<32x256xf32, #tpu.memory_space<vmem>>, vector<1x16xf32>,
        %get3A_99 = arith.index_cast %scan3A_63 : i32 to index
        %get3A_100 = arith.constant 32 : index
        %get3A_101 = tpu.vector_load %arg10[%get3A_99, %get3A_100] {strides = array<i32>} : memref<16x256xf32, #tpu.memory_space<vmem>>, vector<1x16xf32>,
        %get3A_102 = vector.shape_cast %get3A_101 : vector<1x16xf32> to vector<16xf32>
        %add3A_103 = arith.constant 16 : i32
        %add3A_104 = arith.addi %add3A_103, %scan3A_63 : i32
        %get3A_105 = arith.index_cast %add3A_104 : i32 to index
        %get3A_106 = arith.constant 32 : index
        %get3A_107 = tpu.vector_load %arg11[%get3A_105, %get3A_106] {strides = array<i32>} : memref<32x256xf32, #tpu.memory_space<vmem>>, vector<1x16xf32>,
        %get3A_108 = vector.shape_cast %get3A_107 : vector<1x16xf32> to vector<16xf32>
        %sub3A_109 = arith.subf %get3A_102, %get3A_108 : vector<16xf32>
        %mul3A_110 = arith.mulf %sub3A_109, %sub3A_109 : vector<16xf32>
        %add3A_111 = arith.constant 16 : i32
        %add3A_112 = arith.addi %add3A_111, %scan3A_63 : i32
        %swap3A_113 = arith.index_cast %add3A_112 : i32 to index
        %swap3A_114 = arith.constant 32 : index
        %swap3A_115 = tpu.vector_load %arg12[%swap3A_113, %swap3A_114] {strides = array<i32>} : memref<32x256xf32, #tpu.memory_space<vmem>>, vector<1x16xf32>,
        %swap3A_116 = vector.shape_cast %swap3A_115 : vector<1x16xf32> to vector<16xf32>
        %swap3A_117 = vector.shape_cast %mul3A_110 : vector<16xf32> to vector<1x16xf32>
        tpu.vector_store %arg12[%swap3A_113, %swap3A_114], %swap3A_117 {strides = array<i32>} : memref<32x256xf32, #tpu.memory_space<vmem>>, vector<1x16xf32>,
        %get3A_118 = arith.index_cast %scan3A_63 : i32 to index
        %get3A_119 = arith.constant 48 : index
        %get3A_120 = tpu.vector_load %arg10[%get3A_118, %get3A_119] {strides = array<i32>} : memref<16x256xf32, #tpu.memory_space<vmem>>, vector<1x16xf32>,
        %get3A_121 = vector.shape_cast %get3A_120 : vector<1x16xf32> to vector<16xf32>
        %add3A_122 = arith.constant 16 : i32
        %add3A_123 = arith.addi %add3A_122, %scan3A_63 : i32
        %get3A_124 = arith.index_cast %add3A_123 : i32 to index
        %get3A_125 = arith.constant 48 : index
        %get3A_126 = tpu.vector_load %arg11[%get3A_124, %get3A_125] {strides = array<i32>} : memref<32x256xf32, #tpu.memory_space<vmem>>, vector<1x16xf32>,
        %get3A_127 = vector.shape_cast %get3A_126 : vector<1x16xf32> to vector<16xf32>
        %sub3A_128 = arith.subf %get3A_121, %get3A_127 : vector<16xf32>
        %mul3A_129 = arith.mulf %sub3A_128, %sub3A_128 : vector<16xf32>
        %add3A_130 = arith.constant 16 : i32
        %add3A_131 = arith.addi %add3A_130, %scan3A_63 : i32
        %swap3A_132 = arith.index_cast %add3A_131 : i32 to index
        %swap3A_133 = arith.constant 48 : index
        %swap3A_134 = tpu.vector_load %arg12[%swap3A_132, %swap3A_133] {strides = array<i32>} : memref<32x256xf32, #tpu.memory_space<vmem>>, vector<1x16xf32>,
        %swap3A_135 = vector.shape_cast %swap3A_134 : vector<1x16xf32> to vector<16xf32>
        %swap3A_136 = vector.shape_cast %mul3A_129 : vector<16xf32> to vector<1x16xf32>
        tpu.vector_store %arg12[%swap3A_132, %swap3A_133], %swap3A_136 {strides = array<i32>} : memref<32x256xf32, #tpu.memory_space<vmem>>, vector<1x16xf32>,
        %get3A_137 = arith.index_cast %scan3A_63 : i32 to index
        %get3A_138 = arith.constant 64 : index
        %get3A_139 = tpu.vector_load %arg10[%get3A_137, %get3A_138] {strides = array<i32>} : memref<16x256xf32, #tpu.memory_space<vmem>>, vector<1x16xf32>,
        %get3A_140 = vector.shape_cast %get3A_139 : vector<1x16xf32> to vector<16xf32>
        %add3A_141 = arith.constant 16 : i32
        %add3A_142 = arith.addi %add3A_141, %scan3A_63 : i32
        %get3A_143 = arith.index_cast %add3A_142 : i32 to index
        %get3A_144 = arith.constant 64 : index
        %get3A_145 = tpu.vector_load %arg11[%get3A_143, %get3A_144] {strides = array<i32>} : memref<32x256xf32, #tpu.memory_space<vmem>>, vector<1x16xf32>,
        %get3A_146 = vector.shape_cast %get3A_145 : vector<1x16xf32> to vector<16xf32>
        %sub3A_147 = arith.subf %get3A_140, %get3A_146 : vector<16xf32>
        %mul3A_148 = arith.mulf %sub3A_147, %sub3A_147 : vector<16xf32>
        %add3A_149 = arith.constant 16 : i32
        %add3A_150 = arith.addi %add3A_149, %scan3A_63 : i32
        %swap3A_151 = arith.index_cast %add3A_150 : i32 to index
        %swap3A_152 = arith.constant 64 : index
        %swap3A_153 = tpu.vector_load %arg12[%swap3A_151, %swap3A_152] {strides = array<i32>} : memref<32x256xf32, #tpu.memory_space<vmem>>, vector<1x16xf32>,
        %swap3A_154 = vector.shape_cast %swap3A_153 : vector<1x16xf32> to vector<16xf32>
        %swap3A_155 = vector.shape_cast %mul3A_148 : vector<16xf32> to vector<1x16xf32>
        tpu.vector_store %arg12[%swap3A_151, %swap3A_152], %swap3A_155 {strides = array<i32>} : memref<32x256xf32, #tpu.memory_space<vmem>>, vector<1x16xf32>,
        %get3A_156 = arith.index_cast %scan3A_63 : i32 to index
        %get3A_157 = arith.constant 80 : index
        %get3A_158 = tpu.vector_load %arg10[%get3A_156, %get3A_157] {strides = array<i32>} : memref<16x256xf32, #tpu.memory_space<vmem>>, vector<1x16xf32>,
        %get3A_159 = vector.shape_cast %get3A_158 : vector<1x16xf32> to vector<16xf32>
        %add3A_160 = arith.constant 16 : i32
        %add3A_161 = arith.addi %add3A_160, %scan3A_63 : i32
        %get3A_162 = arith.index_cast %add3A_161 : i32 to index
        %get3A_163 = arith.constant 80 : index
        %get3A_164 = tpu.vector_load %arg11[%get3A_162, %get3A_163] {strides = array<i32>} : memref<32x256xf32, #tpu.memory_space<vmem>>, vector<1x16xf32>,
        %get3A_165 = vector.shape_cast %get3A_164 : vector<1x16xf32> to vector<16xf32>
        %sub3A_166 = arith.subf %get3A_159, %get3A_165 : vector<16xf32>
        %mul3A_167 = arith.mulf %sub3A_166, %sub3A_166 : vector<16xf32>
        %add3A_168 = arith.constant 16 : i32
        %add3A_169 = arith.addi %add3A_168, %scan3A_63 : i32
        %swap3A_170 = arith.index_cast %add3A_169 : i32 to index
        %swap3A_171 = arith.constant 80 : index
        %swap3A_172 = tpu.vector_load %arg12[%swap3A_170, %swap3A_171] {strides = array<i32>} : memref<32x256xf32, #tpu.memory_space<vmem>>, vector<1x16xf32>,
        %swap3A_173 = vector.shape_cast %swap3A_172 : vector<1x16xf32> to vector<16xf32>
        %swap3A_174 = vector.shape_cast %mul3A_167 : vector<16xf32> to vector<1x16xf32>
        tpu.vector_store %arg12[%swap3A_170, %swap3A_171], %swap3A_174 {strides = array<i32>} : memref<32x256xf32, #tpu.memory_space<vmem>>, vector<1x16xf32>,
        %get3A_175 = arith.index_cast %scan3A_63 : i32 to index
        %get3A_176 = arith.constant 96 : index
        %get3A_177 = tpu.vector_load %arg10[%get3A_175, %get3A_176] {strides = array<i32>} : memref<16x256xf32, #tpu.memory_space<vmem>>, vector<1x16xf32>,
        %get3A_178 = vector.shape_cast %get3A_177 : vector<1x16xf32> to vector<16xf32>
        %add3A_179 = arith.constant 16 : i32
        %add3A_180 = arith.addi %add3A_179, %scan3A_63 : i32
        %get3A_181 = arith.index_cast %add3A_180 : i32 to index
        %get3A_182 = arith.constant 96 : index
        %get3A_183 = tpu.vector_load %arg11[%get3A_181, %get3A_182] {strides = array<i32>} : memref<32x256xf32, #tpu.memory_space<vmem>>, vector<1x16xf32>,
        %get3A_184 = vector.shape_cast %get3A_183 : vector<1x16xf32> to vector<16xf32>
        %sub3A_185 = arith.subf %get3A_178, %get3A_184 : vector<16xf32>
        %mul3A_186 = arith.mulf %sub3A_185, %sub3A_185 : vector<16xf32>
        %add3A_187 = arith.constant 16 : i32
        %add3A_188 = arith.addi %add3A_187, %scan3A_63 : i32
        %swap3A_189 = arith.index_cast %add3A_188 : i32 to index
        %swap3A_190 = arith.constant 96 : index
        %swap3A_191 = tpu.vector_load %arg12[%swap3A_189, %swap3A_190] {strides = array<i32>} : memref<32x256xf32, #tpu.memory_space<vmem>>, vector<1x16xf32>,
        %swap3A_192 = vector.shape_cast %swap3A_191 : vector<1x16xf32> to vector<16xf32>
        %swap3A_193 = vector.shape_cast %mul3A_186 : vector<16xf32> to vector<1x16xf32>
        tpu.vector_store %arg12[%swap3A_189, %swap3A_190], %swap3A_193 {strides = array<i32>} : memref<32x256xf32, #tpu.memory_space<vmem>>, vector<1x16xf32>,
        %get3A_194 = arith.index_cast %scan3A_63 : i32 to index
        %get3A_195 = arith.constant 112 : index
        %get3A_196 = tpu.vector_load %arg10[%get3A_194, %get3A_195] {strides = array<i32>} : memref<16x256xf32, #tpu.memory_space<vmem>>, vector<1x16xf32>,
        %get3A_197 = vector.shape_cast %get3A_196 : vector<1x16xf32> to vector<16xf32>
        %add3A_198 = arith.constant 16 : i32
        %add3A_199 = arith.addi %add3A_198, %scan3A_63 : i32
        %get3A_200 = arith.index_cast %add3A_199 : i32 to index
        %get3A_201 = arith.constant 112 : index
        %get3A_202 = tpu.vector_load %arg11[%get3A_200, %get3A_201] {strides = array<i32>} : memref<32x256xf32, #tpu.memory_space<vmem>>, vector<1x16xf32>,
        %get3A_203 = vector.shape_cast %get3A_202 : vector<1x16xf32> to vector<16xf32>
        %sub3A_204 = arith.subf %get3A_197, %get3A_203 : vector<16xf32>
        %mul3A_205 = arith.mulf %sub3A_204, %sub3A_204 : vector<16xf32>
        %add3A_206 = arith.constant 16 : i32
        %add3A_207 = arith.addi %add3A_206, %scan3A_63 : i32
        %swap3A_208 = arith.index_cast %add3A_207 : i32 to index
        %swap3A_209 = arith.constant 112 : index
        %swap3A_210 = tpu.vector_load %arg12[%swap3A_208, %swap3A_209] {strides = array<i32>} : memref<32x256xf32, #tpu.memory_space<vmem>>, vector<1x16xf32>,
        %swap3A_211 = vector.shape_cast %swap3A_210 : vector<1x16xf32> to vector<16xf32>
        %swap3A_212 = vector.shape_cast %mul3A_205 : vector<16xf32> to vector<1x16xf32>
        tpu.vector_store %arg12[%swap3A_208, %swap3A_209], %swap3A_212 {strides = array<i32>} : memref<32x256xf32, #tpu.memory_space<vmem>>, vector<1x16xf32>,
        %get3A_213 = arith.index_cast %scan3A_63 : i32 to index
        %get3A_214 = arith.constant 128 : index
        %get3A_215 = tpu.vector_load %arg10[%get3A_213, %get3A_214] {strides = array<i32>} : memref<16x256xf32, #tpu.memory_space<vmem>>, vector<1x16xf32>,
        %get3A_216 = vector.shape_cast %get3A_215 : vector<1x16xf32> to vector<16xf32>
        %add3A_217 = arith.constant 16 : i32
        %add3A_218 = arith.addi %add3A_217, %scan3A_63 : i32
        %get3A_219 = arith.index_cast %add3A_218 : i32 to index
        %get3A_220 = arith.constant 128 : index
        %get3A_221 = tpu.vector_load %arg11[%get3A_219, %get3A_220] {strides = array<i32>} : memref<32x256xf32, #tpu.memory_space<vmem>>, vector<1x16xf32>,
        %get3A_222 = vector.shape_cast %get3A_221 : vector<1x16xf32> to vector<16xf32>
        %sub3A_223 = arith.subf %get3A_216, %get3A_222 : vector<16xf32>
        %mul3A_224 = arith.mulf %sub3A_223, %sub3A_223 : vector<16xf32>
        %add3A_225 = arith.constant 16 : i32
        %add3A_226 = arith.addi %add3A_225, %scan3A_63 : i32
        %swap3A_227 = arith.index_cast %add3A_226 : i32 to index
        %swap3A_228 = arith.constant 128 : index
        %swap3A_229 = tpu.vector_load %arg12[%swap3A_227, %swap3A_228] {strides = array<i32>} : memref<32x256xf32, #tpu.memory_space<vmem>>, vector<1x16xf32>,
        %swap3A_230 = vector.shape_cast %swap3A_229 : vector<1x16xf32> to vector<16xf32>
        %swap3A_231 = vector.shape_cast %mul3A_224 : vector<16xf32> to vector<1x16xf32>
        tpu.vector_store %arg12[%swap3A_227, %swap3A_228], %swap3A_231 {strides = array<i32>} : memref<32x256xf32, #tpu.memory_space<vmem>>, vector<1x16xf32>,
        %get3A_232 = arith.index_cast %scan3A_63 : i32 to index
        %get3A_233 = arith.constant 144 : index
        %get3A_234 = tpu.vector_load %arg10[%get3A_232, %get3A_233] {strides = array<i32>} : memref<16x256xf32, #tpu.memory_space<vmem>>, vector<1x16xf32>,
        %get3A_235 = vector.shape_cast %get3A_234 : vector<1x16xf32> to vector<16xf32>
        %add3A_236 = arith.constant 16 : i32
        %add3A_237 = arith.addi %add3A_236, %scan3A_63 : i32
        %get3A_238 = arith.index_cast %add3A_237 : i32 to index
        %get3A_239 = arith.constant 144 : index
        %get3A_240 = tpu.vector_load %arg11[%get3A_238, %get3A_239] {strides = array<i32>} : memref<32x256xf32, #tpu.memory_space<vmem>>, vector<1x16xf32>,
        %get3A_241 = vector.shape_cast %get3A_240 : vector<1x16xf32> to vector<16xf32>
        %sub3A_242 = arith.subf %get3A_235, %get3A_241 : vector<16xf32>
        %mul3A_243 = arith.mulf %sub3A_242, %sub3A_242 : vector<16xf32>
        %add3A_244 = arith.constant 16 : i32
        %add3A_245 = arith.addi %add3A_244, %scan3A_63 : i32
        %swap3A_246 = arith.index_cast %add3A_245 : i32 to index
        %swap3A_247 = arith.constant 144 : index
        %swap3A_248 = tpu.vector_load %arg12[%swap3A_246, %swap3A_247] {strides = array<i32>} : memref<32x256xf32, #tpu.memory_space<vmem>>, vector<1x16xf32>,
        %swap3A_249 = vector.shape_cast %swap3A_248 : vector<1x16xf32> to vector<16xf32>
        %swap3A_250 = vector.shape_cast %mul3A_243 : vector<16xf32> to vector<1x16xf32>
        tpu.vector_store %arg12[%swap3A_246, %swap3A_247], %swap3A_250 {strides = array<i32>} : memref<32x256xf32, #tpu.memory_space<vmem>>, vector<1x16xf32>,
        %get3A_251 = arith.index_cast %scan3A_63 : i32 to index
        %get3A_252 = arith.constant 160 : index
        %get3A_253 = tpu.vector_load %arg10[%get3A_251, %get3A_252] {strides = array<i32>} : memref<16x256xf32, #tpu.memory_space<vmem>>, vector<1x16xf32>,
        %get3A_254 = vector.shape_cast %get3A_253 : vector<1x16xf32> to vector<16xf32>
        %add3A_255 = arith.constant 16 : i32
        %add3A_256 = arith.addi %add3A_255, %scan3A_63 : i32
        %get3A_257 = arith.index_cast %add3A_256 : i32 to index
        %get3A_258 = arith.constant 160 : index
        %get3A_259 = tpu.vector_load %arg11[%get3A_257, %get3A_258] {strides = array<i32>} : memref<32x256xf32, #tpu.memory_space<vmem>>, vector<1x16xf32>,
        %get3A_260 = vector.shape_cast %get3A_259 : vector<1x16xf32> to vector<16xf32>
        %sub3A_261 = arith.subf %get3A_254, %get3A_260 : vector<16xf32>
        %mul3A_262 = arith.mulf %sub3A_261, %sub3A_261 : vector<16xf32>
        %add3A_263 = arith.constant 16 : i32
        %add3A_264 = arith.addi %add3A_263, %scan3A_63 : i32
        %swap3A_265 = arith.index_cast %add3A_264 : i32 to index
        %swap3A_266 = arith.constant 160 : index
        %swap3A_267 = tpu.vector_load %arg12[%swap3A_265, %swap3A_266] {strides = array<i32>} : memref<32x256xf32, #tpu.memory_space<vmem>>, vector<1x16xf32>,
        %swap3A_268 = vector.shape_cast %swap3A_267 : vector<1x16xf32> to vector<16xf32>
        %swap3A_269 = vector.shape_cast %mul3A_262 : vector<16xf32> to vector<1x16xf32>
        tpu.vector_store %arg12[%swap3A_265, %swap3A_266], %swap3A_269 {strides = array<i32>} : memref<32x256xf32, #tpu.memory_space<vmem>>, vector<1x16xf32>,
        %get3A_270 = arith.index_cast %scan3A_63 : i32 to index
        %get3A_271 = arith.constant 176 : index
        %get3A_272 = tpu.vector_load %arg10[%get3A_270, %get3A_271] {strides = array<i32>} : memref<16x256xf32, #tpu.memory_space<vmem>>, vector<1x16xf32>,
        %get3A_273 = vector.shape_cast %get3A_272 : vector<1x16xf32> to vector<16xf32>
        %add3A_274 = arith.constant 16 : i32
        %add3A_275 = arith.addi %add3A_274, %scan3A_63 : i32
        %get3A_276 = arith.index_cast %add3A_275 : i32 to index
        %get3A_277 = arith.constant 176 : index
        %get3A_278 = tpu.vector_load %arg11[%get3A_276, %get3A_277] {strides = array<i32>} : memref<32x256xf32, #tpu.memory_space<vmem>>, vector<1x16xf32>,
        %get3A_279 = vector.shape_cast %get3A_278 : vector<1x16xf32> to vector<16xf32>
        %sub3A_280 = arith.subf %get3A_273, %get3A_279 : vector<16xf32>
        %mul3A_281 = arith.mulf %sub3A_280, %sub3A_280 : vector<16xf32>
        %add3A_282 = arith.constant 16 : i32
        %add3A_283 = arith.addi %add3A_282, %scan3A_63 : i32
        %swap3A_284 = arith.index_cast %add3A_283 : i32 to index
        %swap3A_285 = arith.constant 176 : index
        %swap3A_286 = tpu.vector_load %arg12[%swap3A_284, %swap3A_285] {strides = array<i32>} : memref<32x256xf32, #tpu.memory_space<vmem>>, vector<1x16xf32>,
        %swap3A_287 = vector.shape_cast %swap3A_286 : vector<1x16xf32> to vector<16xf32>
        %swap3A_288 = vector.shape_cast %mul3A_281 : vector<16xf32> to vector<1x16xf32>
        tpu.vector_store %arg12[%swap3A_284, %swap3A_285], %swap3A_288 {strides = array<i32>} : memref<32x256xf32, #tpu.memory_space<vmem>>, vector<1x16xf32>,
        %get3A_289 = arith.index_cast %scan3A_63 : i32 to index
        %get3A_290 = arith.constant 192 : index
        %get3A_291 = tpu.vector_load %arg10[%get3A_289, %get3A_290] {strides = array<i32>} : memref<16x256xf32, #tpu.memory_space<vmem>>, vector<1x16xf32>,
        %get3A_292 = vector.shape_cast %get3A_291 : vector<1x16xf32> to vector<16xf32>
        %add3A_293 = arith.constant 16 : i32
        %add3A_294 = arith.addi %add3A_293, %scan3A_63 : i32
        %get3A_295 = arith.index_cast %add3A_294 : i32 to index
        %get3A_296 = arith.constant 192 : index
        %get3A_297 = tpu.vector_load %arg11[%get3A_295, %get3A_296] {strides = array<i32>} : memref<32x256xf32, #tpu.memory_space<vmem>>, vector<1x16xf32>,
        %get3A_298 = vector.shape_cast %get3A_297 : vector<1x16xf32> to vector<16xf32>
        %sub3A_299 = arith.subf %get3A_292, %get3A_298 : vector<16xf32>
        %mul3A_300 = arith.mulf %sub3A_299, %sub3A_299 : vector<16xf32>
        %add3A_301 = arith.constant 16 : i32
        %add3A_302 = arith.addi %add3A_301, %scan3A_63 : i32
        %swap3A_303 = arith.index_cast %add3A_302 : i32 to index
        %swap3A_304 = arith.constant 192 : index
        %swap3A_305 = tpu.vector_load %arg12[%swap3A_303, %swap3A_304] {strides = array<i32>} : memref<32x256xf32, #tpu.memory_space<vmem>>, vector<1x16xf32>,
        %swap3A_306 = vector.shape_cast %swap3A_305 : vector<1x16xf32> to vector<16xf32>
        %swap3A_307 = vector.shape_cast %mul3A_300 : vector<16xf32> to vector<1x16xf32>
        tpu.vector_store %arg12[%swap3A_303, %swap3A_304], %swap3A_307 {strides = array<i32>} : memref<32x256xf32, #tpu.memory_space<vmem>>, vector<1x16xf32>,
        %get3A_308 = arith.index_cast %scan3A_63 : i32 to index
        %get3A_309 = arith.constant 208 : index
        %get3A_310 = tpu.vector_load %arg10[%get3A_308, %get3A_309] {strides = array<i32>} : memref<16x256xf32, #tpu.memory_space<vmem>>, vector<1x16xf32>,
        %get3A_311 = vector.shape_cast %get3A_310 : vector<1x16xf32> to vector<16xf32>
        %add3A_312 = arith.constant 16 : i32
        %add3A_313 = arith.addi %add3A_312, %scan3A_63 : i32
        %get3A_314 = arith.index_cast %add3A_313 : i32 to index
        %get3A_315 = arith.constant 208 : index
        %get3A_316 = tpu.vector_load %arg11[%get3A_314, %get3A_315] {strides = array<i32>} : memref<32x256xf32, #tpu.memory_space<vmem>>, vector<1x16xf32>,
        %get3A_317 = vector.shape_cast %get3A_316 : vector<1x16xf32> to vector<16xf32>
        %sub3A_318 = arith.subf %get3A_311, %get3A_317 : vector<16xf32>
        %mul3A_319 = arith.mulf %sub3A_318, %sub3A_318 : vector<16xf32>
        %add3A_320 = arith.constant 16 : i32
        %add3A_321 = arith.addi %add3A_320, %scan3A_63 : i32
        %swap3A_322 = arith.index_cast %add3A_321 : i32 to index
        %swap3A_323 = arith.constant 208 : index
        %swap3A_324 = tpu.vector_load %arg12[%swap3A_322, %swap3A_323] {strides = array<i32>} : memref<32x256xf32, #tpu.memory_space<vmem>>, vector<1x16xf32>,
        %swap3A_325 = vector.shape_cast %swap3A_324 : vector<1x16xf32> to vector<16xf32>
        %swap3A_326 = vector.shape_cast %mul3A_319 : vector<16xf32> to vector<1x16xf32>
        tpu.vector_store %arg12[%swap3A_322, %swap3A_323], %swap3A_326 {strides = array<i32>} : memref<32x256xf32, #tpu.memory_space<vmem>>, vector<1x16xf32>,
        %get3A_327 = arith.index_cast %scan3A_63 : i32 to index
        %get3A_328 = arith.constant 224 : index
        %get3A_329 = tpu.vector_load %arg10[%get3A_327, %get3A_328] {strides = array<i32>} : memref<16x256xf32, #tpu.memory_space<vmem>>, vector<1x16xf32>,
        %get3A_330 = vector.shape_cast %get3A_329 : vector<1x16xf32> to vector<16xf32>
        %add3A_331 = arith.constant 16 : i32
        %add3A_332 = arith.addi %add3A_331, %scan3A_63 : i32
        %get3A_333 = arith.index_cast %add3A_332 : i32 to index
        %get3A_334 = arith.constant 224 : index
        %get3A_335 = tpu.vector_load %arg11[%get3A_333, %get3A_334] {strides = array<i32>} : memref<32x256xf32, #tpu.memory_space<vmem>>, vector<1x16xf32>,
        %get3A_336 = vector.shape_cast %get3A_335 : vector<1x16xf32> to vector<16xf32>
        %sub3A_337 = arith.subf %get3A_330, %get3A_336 : vector<16xf32>
        %mul3A_338 = arith.mulf %sub3A_337, %sub3A_337 : vector<16xf32>
        %add3A_339 = arith.constant 16 : i32
        %add3A_340 = arith.addi %add3A_339, %scan3A_63 : i32
        %swap3A_341 = arith.index_cast %add3A_340 : i32 to index
        %swap3A_342 = arith.constant 224 : index
        %swap3A_343 = tpu.vector_load %arg12[%swap3A_341, %swap3A_342] {strides = array<i32>} : memref<32x256xf32, #tpu.memory_space<vmem>>, vector<1x16xf32>,
        %swap3A_344 = vector.shape_cast %swap3A_343 : vector<1x16xf32> to vector<16xf32>
        %swap3A_345 = vector.shape_cast %mul3A_338 : vector<16xf32> to vector<1x16xf32>
        tpu.vector_store %arg12[%swap3A_341, %swap3A_342], %swap3A_345 {strides = array<i32>} : memref<32x256xf32, #tpu.memory_space<vmem>>, vector<1x16xf32>,
        %get3A_346 = arith.index_cast %scan3A_63 : i32 to index
        %get3A_347 = arith.constant 240 : index
        %get3A_348 = tpu.vector_load %arg10[%get3A_346, %get3A_347] {strides = array<i32>} : memref<16x256xf32, #tpu.memory_space<vmem>>, vector<1x16xf32>,
        %get3A_349 = vector.shape_cast %get3A_348 : vector<1x16xf32> to vector<16xf32>
        %add3A_350 = arith.constant 16 : i32
        %add3A_351 = arith.addi %add3A_350, %scan3A_63 : i32
        %get3A_352 = arith.index_cast %add3A_351 : i32 to index
        %get3A_353 = arith.constant 240 : index
        %get3A_354 = tpu.vector_load %arg11[%get3A_352, %get3A_353] {strides = array<i32>} : memref<32x256xf32, #tpu.memory_space<vmem>>, vector<1x16xf32>,
        %get3A_355 = vector.shape_cast %get3A_354 : vector<1x16xf32> to vector<16xf32>
        %sub3A_356 = arith.subf %get3A_349, %get3A_355 : vector<16xf32>
        %mul3A_357 = arith.mulf %sub3A_356, %sub3A_356 : vector<16xf32>
        %add3A_358 = arith.constant 16 : i32
        %add3A_359 = arith.addi %add3A_358, %scan3A_63 : i32
        %swap3A_360 = arith.index_cast %add3A_359 : i32 to index
        %swap3A_361 = arith.constant 240 : index
        %swap3A_362 = tpu.vector_load %arg12[%swap3A_360, %swap3A_361] {strides = array<i32>} : memref<32x256xf32, #tpu.memory_space<vmem>>, vector<1x16xf32>,
        %swap3A_363 = vector.shape_cast %swap3A_362 : vector<1x16xf32> to vector<16xf32>
        %swap3A_364 = vector.shape_cast %mul3A_357 : vector<16xf32> to vector<1x16xf32>
        tpu.vector_store %arg12[%swap3A_360, %swap3A_361], %swap3A_364 {strides = array<i32>} : memref<32x256xf32, #tpu.memory_space<vmem>>, vector<1x16xf32>,
      }
      %scan3A_46 = arith.constant 16 : i32
      %dma_start3A_47 = arith.constant 0 : i32
      %dma_start3A_48 = tpu.memref_slice %arg6[%min3A_5, %dma_start3A_47] : memref<392x256xf32, #tpu.memory_space<hbm>> -> memref<32x256xf32, #tpu.memory_space<hbm>>
      %dma_start3A_49 = arith.constant 0 : i32
      %dma_start3A_50 = tpu.memref_slice %arg6[%min3A_5, %dma_start3A_49] : memref<392x256xf32, #tpu.memory_space<hbm>> -> memref<32x256xf32, #tpu.memory_space<hbm>>
      tpu.enqueue_dma source(%arg12 : memref<32x256xf32, #tpu.memory_space<vmem>>) target(%dma_start3A_50 : memref<32x256xf32, #tpu.memory_space<hbm>>) target_semaphore(%arg16 : memref<!tpu.dma_semaphore, #tpu.memory_space<semaphore_mem>>)
      %dma_wait3A_51 = arith.constant 0 : i32
      %dma_wait3A_52 = tpu.memref_slice %arg5[%min3A_5, %dma_wait3A_51] : memref<392x256xf32, #tpu.memory_space<hbm>> -> memref<16x256xf32, #tpu.memory_space<hbm>>
      %dma_wait3A_53 = arith.constant 0 : i32
      %dma_wait3A_54 = tpu.memref_slice %arg5[%min3A_5, %dma_wait3A_53] : memref<392x256xf32, #tpu.memory_space<hbm>> -> memref<16x256xf32, #tpu.memory_space<hbm>>
      tpu.wait_dma2 semaphore(%arg16 : memref<!tpu.dma_semaphore, #tpu.memory_space<semaphore_mem>>) src(%arg9 : memref<16x256xf32, #tpu.memory_space<vmem>>) dst(%dma_wait3A_54 : memref<16x256xf32, #tpu.memory_space<hbm>>)
      %dma_wait3A_55 = arith.constant 0 : i32
      %dma_wait3A_56 = tpu.memref_slice %arg5[%add3A_36, %dma_wait3A_55] : memref<392x256xf32, #tpu.memory_space<hbm>> -> memref<16x256xf32, #tpu.memory_space<hbm>>
      %dma_wait3A_57 = arith.constant 0 : i32
      %dma_wait3A_58 = tpu.memref_slice %arg5[%add3A_36, %dma_wait3A_57] : memref<392x256xf32, #tpu.memory_space<hbm>> -> memref<16x256xf32, #tpu.memory_space<hbm>>
      tpu.wait_dma2 semaphore(%arg16 : memref<!tpu.dma_semaphore, #tpu.memory_space<semaphore_mem>>) src(%arg10 : memref<16x256xf32, #tpu.memory_space<vmem>>) dst(%dma_wait3A_58 : memref<16x256xf32, #tpu.memory_space<hbm>>)
      %dma_wait3A_59 = arith.constant 0 : i32
      %dma_wait3A_60 = tpu.memref_slice %arg6[%min3A_5, %dma_wait3A_59] : memref<392x256xf32, #tpu.memory_space<hbm>> -> memref<32x256xf32, #tpu.memory_space<hbm>>
      %dma_wait3A_61 = arith.constant 0 : i32
      %dma_wait3A_62 = tpu.memref_slice %arg6[%min3A_5, %dma_wait3A_61] : memref<392x256xf32, #tpu.memory_space<hbm>> -> memref<32x256xf32, #tpu.memory_space<hbm>>
      tpu.wait_dma2 semaphore(%arg16 : memref<!tpu.dma_semaphore, #tpu.memory_space<semaphore_mem>>) src(%arg12 : memref<32x256xf32, #tpu.memory_space<vmem>>) dst(%dma_wait3A_62 : memref<32x256xf32, #tpu.memory_space<hbm>>)
    } else {
    }
    return
  }
}

module attributes {stable_mosaic.version = 14 : i64} {
  func.func @_argmin_body(%arg0: memref<392x256xf32, #tpu.memory_space<vmem>>, %arg1: memref<512x256xf32, #tpu.memory_space<vmem>>, %arg2: memref<392xi32, #tpu.memory_space<vmem>>) attributes {dimension_semantics = [], scalar_prefetch = 0 : i64, scratch_operands = 0 : i64, tpu.core_type = #tpu.core_type<tc>} {
    %get3A = arith.constant 0 : index
    %get3A_0 = arith.constant 0 : index
    %get3A_1 = vector.load %arg0[%get3A, %get3A_0] : memref<392x256xf32, #tpu.memory_space<vmem>>, vector<392x256xf32>
    %get3A_2 = arith.constant 0 : index
    %get3A_3 = arith.constant 0 : index
    %get3A_4 = vector.load %arg1[%get3A_2, %get3A_3] : memref<512x256xf32, #tpu.memory_space<vmem>>, vector<512x256xf32>
    %transpose3A = tpu.transpose %get3A_4, [1, 0] : vector<512x256xf32> -> vector<256x512xf32>
    %dot_general3A = arith.constant dense<0.000000e+00> : vector<392x512xf32>
    %dot_general3A_5 = tpu.matmul %get3A_1, %transpose3A, %dot_general3A {dimension_numbers = #tpu.dot_dimension_numbers<[1], [0], [0], [1], [0, 0, 1, 1], [], []>, precision = #tpu.contract_precision<fp32>, transpose_lhs_hint = false} : vector<392x256xf32>, vector<256x512xf32>, vector<392x512xf32> -> vector<392x512xf32>
    %mul3A = arith.mulf %transpose3A, %transpose3A : vector<256x512xf32>
    %reduce_sum3A = arith.constant dense<0.000000e+00> : vector<512xf32>
    %reduce_sum3A_6 = vector.multi_reduction <add>, %mul3A, %reduce_sum3A [0] : vector<256x512xf32> to vector<512xf32>
    %broadcast_in_dim3A = vector.shape_cast %reduce_sum3A_6 : vector<512xf32> to vector<1x512xf32>
    %mul3A_7 = arith.constant 2.000000e+00 : f32
    %mul3A_8 = vector.broadcast %mul3A_7 : f32 to vector<392x512xf32>
    %mul3A_9 = arith.mulf %mul3A_8, %dot_general3A_5 : vector<392x512xf32>
    %sub3A = vector.broadcast %broadcast_in_dim3A : vector<1x512xf32> to vector<392x512xf32>
    %sub3A_10 = arith.subf %sub3A, %mul3A_9 : vector<392x512xf32>
    %reduce_min3A = arith.constant dense<0x7F800000> : vector<392xf32>
    %reduce_min3A_11 = vector.multi_reduction <minimumf>, %sub3A_10, %reduce_min3A [1] : vector<392x512xf32> to vector<392xf32>
    %broadcast_in_dim3A_12 = vector.shape_cast %reduce_min3A_11 : vector<392xf32> to vector<392x1xf32>
    %iota3A = tpu.iota {dimensions = array<i32: 1>} : vector<392x512xi32>
    %eq3A = vector.broadcast %broadcast_in_dim3A_12 : vector<392x1xf32> to vector<392x512xf32>
    %eq3A_13 = arith.cmpf oeq, %sub3A_10, %eq3A : vector<392x512xf32>
    %jit3A = arith.constant 512 : i32
    %broadcast_in_dim3A_14 = vector.broadcast %jit3A : i32 to vector<392x512xi32>
    %select_n3A = arith.select %eq3A_13, %iota3A, %broadcast_in_dim3A_14 : vector<392x512xi1>, vector<392x512xi32>
    %reduce_min3A_15 = arith.constant dense<2147483647> : vector<392xi32>
    %reduce_min3A_16 = vector.multi_reduction <minsi>, %select_n3A, %reduce_min3A_15 [1] : vector<392x512xi32> to vector<392xi32>
    %swap3A = arith.constant 0 : index
    %swap3A_17 = vector.load %arg2[%swap3A] : memref<392xi32, #tpu.memory_space<vmem>>, vector<392xi32>
    tpu.vector_store %arg2[%swap3A], %reduce_min3A_16 {strides = array<i32>} : memref<392xi32, #tpu.memory_space<vmem>>, vector<392xi32>,
    return
  }
}

</mosaic_0001>

<sc_bundles>
// kernel: kernel.4.cloned.1.call-start
scs
__scs_entry_jumppad:
0x0: {  	(pc) =	sbr.rel $0x88, $3  }
0x1: {  	(tag) =	ssettag $0x0;
	lr =	simm.s32 $0x1  }
0x2: {  	[smem:$0x3F9F] =	sst lr;
	_ =	strace $0xD0000000  }
0x3: {  	_ = 	snop  }
0x4: {  	_ = 	snop  }
0x5: {  	_ = 	snop  }
0x6: {  	_ = 	snop  }
0x7: {  	_ = 	snop  }
__scs_overlays_trampoline_lowered:
0x8: {  	[smem:$0x3FAE] =	sst s0  }
0x9: {  	[smem:$0x3FAF] =	sst s1  }
0xa: {  	[smem:$0x3FB0] =	sst s2  }
0xb: {  	[smem:$0x3FB1] =	sst s3  }
0xc: {  	[smem:$0x3FB2] =	sst s4  }
0xd: {  	[smem:$0x3FB3] =	sst s5  }
0xe: {  	[smem:$0x3FB4] =	sst s6  }
0xf: {  	[smem:$0x3FB5] =	sst s7  }
0x10: {  	[smem:$0x3FB6] =	sst s8  }
0x11: {  	[smem:$0x3FB7] =	sst s9;
	s0 =	simm.s32 @!p0 $0x0  }
0x12: {  	s1 =	sld [smem:$0x3F9D];
	s0 =	simm.s32 @p0 $0x1  }
0x13: {  	[smem:$0x3FB8] =	sst s0;
	s0 =	simm.s32 @!p1 $0x0  }
0x14: {  	s2 =	sld [smem:$0x3F9C];
	s0 =	simm.s32 @p1 $0x1  }
0x15: {  	[smem:$0x3FB9] =	sst s0;
	s0 =	simm.s32 @!p2 $0x0  }
0x16: {  	s3 =	sld [smem:$0x3FDB];
	s0 =	simm.s32 @p2 $0x1  }
0x17: {  	s4 =	simm.s32 $0x1BF5;
	[smem:$0x3FBB] =	sst s0  }
0x18: {  	s0 =	sld [smem:$0x3F9E];
	_ =	swait.ge [sflag:s4], $0x0  }
0x19: {  	s7 =	sld [smem:$0x3F9F]  }
0x1a: {  	s8 =	sadd.s32 $0xFFFFE003, lr  }
0x1b: {  	s9 =	sadd.s32 $0xFFFFFEF7, lr;
	s5 =	simm.s32 $0xFFFFFFFF;
	p2 =	slt.u32 s8, $0xFFFFF086  }
0x1c: {  	p1 =	slt.u32 s9, $0xF7A;
	s5 =	simm.s32 @!p2 $0x0  }
0x1d: {  	s5 =	simm.s32 @p1 $0x1;
	p0 =	seq.s32 s7, s2  }
0x1e: {  	s7 =	smul.u32 @!p0 $0xF7A, s2;
	p2 =	seq.s32 @!p0 s5, $0x0  }
0x1f: {  	s9 =	smul.u32 $0xF7A, s1;
	s8 =	simm.s32 @!p0 $0x1BF5;
	p2 =	por !p2, p0  }
0x20: {  	[sflag:s8] =	ssyncset.s32 @!p0 $0xFFFFF086;
	s6 =	sadd.s32 @!p0 s3, s7;
	s7 =	simm.s32 @!p0 $0x108  }
0x21: {  	s3 =	sadd.s32 s3, s9;
	s6 =	sadd.s32 @!p0 $0x88, s6;
	s7 =	simm.s32 @p2 $0x1082  }
0x22: {  	[simem:s7], [sflag:s8] =	dma.local @!p0 [hbm:s6], $0xF7A  }
0x23: {  	s9 =	sor.u32 $0xD0000000, s2;
	s6 =	simm.s32 $0x108;
	_ =	swait.ge @!p0 [sflag:s8], $0x0  }
0x24: {  	s3 =	sadd.s32 $0x88, s3;
	s6 =	simm.s32 @!p1 $0x1082;
	[sflag:s4] =	ssyncset.s32 $0xFFFFF086  }
0x25: {  	[simem:s6], [sflag:s4] =	dma.local [hbm:s3], $0xF7A  }
0x26: {  	[smem:$0x3F9F] =	sst s1;
	(tag) =	ssettag s2;
	_ =	strace s9  }
0x27: {  	s1 =	sld [smem:$0x3FAF]  }
0x28: {  	s2 =	sld [smem:$0x3FB0]  }
0x29: {  	s4 =	sld [smem:$0x3FB2]  }
0x2a: {  	p0 =	seq.s32 s5, $0x0;
	s5 =	sld [smem:$0x3FB3]  }
0x2b: {  	s6 =	sld [smem:$0x3FB4]  }
0x2c: {  	s7 =	sld [smem:$0x3FB5]  }
0x2d: {  	s3 =	simm.s32 $0x108;
	s8 =	sld [smem:$0x3FB6]  }
0x2e: {  	s3 =	simm.s32 @!p0 $0x1082;
	s9 =	sld [smem:$0x3FB7]  }
0x2f: {  	lr =	sadd.s32 s0, s3;
	s0 =	sld [smem:$0x3FAE]  }
0x30: {  	s3 =	sld [smem:$0x3FB1]  }
0x31: {  	[smem:$0x3FBA] =	sst s10  }
0x32: {  	s10 =	sld [smem:$0x3FB8];
	_ =	sdelay $0x3  }
0x33: {  	p0 =	seq.s32 s10, $0x1;
	s10 =	sld [smem:$0x3FBA];
	_ =	sdelay $0x3  }
0x34: {  	[smem:$0x3FBA] =	sst s10  }
0x35: {  	s10 =	sld [smem:$0x3FB9];
	_ =	sdelay $0x3  }
0x36: {  	p1 =	seq.s32 s10, $0x1;
	s10 =	sld [smem:$0x3FBA];
	_ =	sdelay $0x3  }
0x37: {  	[smem:$0x3FBA] =	sst s10  }
0x38: {  	s10 =	sld [smem:$0x3FBB]  }
0x39: {  	_ = 	snop;
	(pc) =	sbr.ind lr, $3  }
0x3a: {  	_ = 	snop  }
0x3b: {  	_ = 	snop  }
0x3c: {  	p2 =	seq.s32 s10, $0x1;
	s10 =	sld [smem:$0x3FBA]  }
0x3d: {  	_ =	shalt  }
0x3e: {  	_ =	shalt  }
0x3f: {  	_ =	shalt  }
0x40: {  	_ =	shalt  }
0x41: {  	_ =	shalt  }
0x42: {  	_ =	shalt  }
0x43: {  	_ =	shalt  }
0x44: {  	_ =	shalt  }
0x45: {  	_ =	shalt  }
0x46: {  	_ =	shalt  }
0x47: {  	_ =	shalt  }
0x48: {  	_ =	shalt  }
0x49: {  	_ =	shalt  }
0x4a: {  	_ =	shalt  }
0x4b: {  	_ =	shalt  }
0x4c: {  	_ =	shalt  }
0x4d: {  	_ =	shalt  }
0x4e: {  	_ =	shalt  }
0x4f: {  	_ =	shalt  }
0x50: {  	_ =	shalt  }
0x51: {  	_ =	shalt  }
0x52: {  	_ =	shalt  }
0x53: {  	_ =	shalt  }
0x54: {  	_ =	shalt  }
0x55: {  	_ =	shalt  }
0x56: {  	_ =	shalt  }
0x57: {  	_ =	shalt  }
0x58: {  	_ =	shalt  }
0x59: {  	_ =	shalt  }
0x5a: {  	_ =	shalt  }
0x5b: {  	_ =	shalt  }
0x5c: {  	_ =	shalt  }
0x5d: {  	_ =	shalt  }
0x5e: {  	_ =	shalt  }
0x5f: {  	_ =	shalt  }
0x60: {  	_ =	shalt  }
0x61: {  	_ =	shalt  }
0x62: {  	_ =	shalt  }
0x63: {  	_ =	shalt  }
0x64: {  	_ =	shalt  }
0x65: {  	_ =	shalt  }
0x66: {  	_ =	shalt  }
0x67: {  	_ =	shalt  }
0x68: {  	_ =	shalt  }
0x69: {  	_ =	shalt  }
0x6a: {  	_ =	shalt  }
0x6b: {  	_ =	shalt  }
0x6c: {  	_ =	shalt  }
0x6d: {  	_ =	shalt  }
0x6e: {  	_ =	shalt  }
0x6f: {  	_ =	shalt  }
0x70: {  	_ =	shalt  }
0x71: {  	_ =	shalt  }
0x72: {  	_ =	shalt  }
0x73: {  	_ =	shalt  }
0x74: {  	_ =	shalt  }
0x75: {  	_ =	shalt  }
0x76: {  	_ =	shalt  }
0x77: {  	_ =	shalt  }
0x78: {  	_ =	shalt  }
0x79: {  	_ =	shalt  }
0x7a: {  	_ =	shalt  }
0x7b: {  	_ =	shalt  }
0x7c: {  	_ =	shalt  }
0x7d: {  	_ =	shalt  }
0x7e: {  	_ =	shalt  }
0x7f: {  	_ =	shalt  }
0x80: {  	_ =	shalt  }
0x81: {  	_ =	shalt  }
0x82: {  	_ =	shalt  }
0x83: {  	_ =	shalt  }
0x84: {  	_ =	shalt  }
0x85: {  	_ =	shalt  }
0x86: {  	_ =	shalt  }
0x87: {  	_ =	shalt  }
.Lfunc_end0:
.L_simem_size_0:
called_computation_lowered:
.L_overlay_start_0:
0x88: {  	s0 =	sld [smem:$0x3FD9]  }
0x89: {  	s1 =	sld [smem:$0x3FFE];
	_ =	sdelay $0x3  }
0x8a: {  	s0 =	sadd.s32 s1, s0  }
0x8b: {  	[smem:$0x3FC6] =	sst s0  }
0x8c: {  	_ = 	snop  }
0x8d: {  	s0 =	sld [smem:$0x3FD0];
	_ =	sdelay $0x2  }
0x8e: {  	s2 =	simm.s32 $0xA;
	s3 =	simm.s32 $0x10;
	s13 =	sld [smem:$0x3FC8]  }
0x8f: {  	[smem:s3], [sflag:s2] =	dma.local [hbm:s0], $0x1  }
0x90: {  	_ =	swait.eq [sflag:s2], $0x1  }
0x91: {  	s14 =	sld [smem:$0x10];
	[sflag:s2] =	ssyncset.done $0x0  }
0x92: {  	s15 =	sld [smem:$0x11];
	[sflag:s2] =	ssyncadd.s32 $0xFFFFFFFF  }
0x93: {  	s16 =	sld [smem:$0x13];
	(tm) =	ssettm $0x1  }
0x94: {  	s4 =	sld [smem:$0x3FFB];
	_ =	sdelay $0x3  }
0x95: {  	_ =	strace s4  }
0x96: {  	s4 =	sld [smem:$0x3FFC];
	_ =	sdelay $0x3  }
0x97: {  	_ =	strace s4  }
0x98: {  	s4 =	sld [smem:$0x3FFD];
	_ =	sdelay $0x3  }
0x99: {  	_ =	strace s4  }
0x9a: {  	_ =	strace $0x8FFFFFFF  }
0x9b: {  	s17 =	sld [smem:$0x3FDB];
	_ =	sdelay $0x1  }
0x9c: {  	s5 =	simm.s32 $_scs_section_size  }
0x9d: {  	s6 =	simm.s32 $_size__tile_overlayer_lowered;
	s7 =	simm.s32 $_tile_overlayer_lowered  }
0x9e: {  	s20 =	simm.s32 $0x1BFF;
	s19 =	sshll.u32 s7, $0x1;
	s4 =	sadd.s32 s5, s17  }
0x9f: {  	s8 =	simm.s32 $0x0;
	s18 =	sshll.u32 s6, $0x1;
	s6 =	sadd.s32 s19, s4  }
0xa0: {  	[timem:s8], [sflag:s20] =	dma.local [hbm:s6], s18  }
0xa1: {  	_ =	swait.ge [sflag:s20], s18  }
0xa2: {  	s5 =	ssub.s32 $0x0, s18;
	[sflag:s20] =	ssyncset.done $0x0  }
0xa3: {  	[sflag:s20] =	ssyncadd.s32 s5;
	_ =	sdelay $0x1  }
0xa4: {  	s21 =	simm.s32 $0x1B8B  }
0xa5: {  	_ =	swait.ge [sflag:s21], $0x1  }
0xa6: {  	[sflag:s21] =	ssyncset.done $0x0  }
0xa7: {  	s23 =	simm.s32 $0x1B8E;
	s22 =	sld [smem:$0x3FFE];
	[sflag:s21] =	ssyncadd.s32 $0xFFFFFFFF  }
0xa8: {  	s24 =	simm.s32 $execute0_lowered;
	[smem:$0x3FD2] =	sst s23  }
0xa9: {  	s6 =	sshll.u32 s24, $0x1;
	_ =	strace $0x80000046;
	[dreg:$0x1] =	wrdreg $0xFFFFFFFF  }
0xaa: {  	s25 =	simm.s32 $_size_execute0_lowered;
	s4 =	sadd.s32 s4, s6;
	[dreg:$0x0] =	wrdreg $0x0  }
0xab: {  	s6 =	sshll.u32 s25, $0x1;
	[dreg:$0x2] =	wrdreg s4  }
0xac: {  	[dreg:$0x3] =	wrdreg s6  }
0xad: {  	[dreg:$0x4] =	wrdreg $0xC0  }
0xae: {  	_ =	task [dreg:s8], $0x5FFFF  }
0xaf: {  	[dreg:$0x1] =	wrdreg $0xFFFFFFFF  }
0xb0: {  	[dreg:$0x0] =	wrdreg $0x60  }
0xb1: {  	[dreg:$0x2] =	wrdreg s13  }
0xb2: {  	[dreg:$0x3] =	wrdreg s22  }
0xb3: {  	[dreg:$0x4] =	wrdreg s15  }
0xb4: {  	[dreg:$0x5] =	wrdreg s14  }
0xb5: {  	[dreg:$0x6] =	wrdreg s16  }
0xb6: {  	[dreg:$0x7] =	wrdreg $0x9  }
0xb7: {  	_ =	task.clear_ibuf [dreg:s8], $0x8FFFF;
	_ =	strace $0x90000046  }
0xb8: {  	s26 =	simm.s32 $0x9;
	_ =	strace $0x80000048  }
0xb9: {  	_ =	swait.ge [sflag:s26], $0x1  }
0xba: {  	[sflag:s26] =	ssyncadd.s32 $0xFFFFFFFF  }
0xbb: {  	_ =	strace $0x90000048  }
0xbc: {  	_ =	sfence  }
0xbd: {  	s28 =	sld [smem:$0x0];
	_ =	sdelay $0x1  }
0xbe: {  	s29 =	srdreg.scid  }
0xbf: {  	s30 =	sshll.u32 s29, $0xD;
	s31 =	sshrl.u32 s29, $0x2  }
0xc0: {  	s1 =	sand.u32 $0x1, s29;
	s2 =	sand.u32 $0x4000, s30;
	s0 =	sadd.s32 s31, s28  }
0xc1: {  	s1 =	sor.u32 s2, s1;
	s0 =	sshll.u32 s0, $0x11  }
0xc2: {  	s0 =	sor.u32 s0, s1  }
0xc3: {  	s0 =	sadd.s32 $0x8F2B, s0  }
0xc4: {  	[sflag:s0] =	ssyncadd.remote.s32 $0x1  }
0xc5: {  	_ =	sfence.sel $0xFFFF  }
0xc6: {  	[dreg:$0x0] =	wrdreg $0xFFFFFFFF;
	(pc) =	sbr.abs _section_cstart, $3  }
0xc7: {  	[dreg:$0x1] =	wrdreg $0xFFFFFFFF  }
0xc8: {  	_ =	task.clear_ibuf [dreg:s8], $0x2FFFF;
	_ =	strace $0x9FFFFFFF  }
0xc9: {  	(tm) =	ssettm $0x7FFFFFFF  }
tec
execute0_lowered:
.L_overlay_start_1:
0x0: {  	(tag) =	ssettag $0x1  }
0x1: {  	s7 =	rddreg [dreg:$0x0];
	s1 =	stileid.u32  }
0x2: {  	s5 =	rddreg [dreg:$0x1];
	p0 =	sgt.u32 s1, $0xC  }
.Ltmp0:
0x3: {  	s6 =	rddreg [dreg:$0x2];
	(pc) =	sbr.rel @p0 .LBB2_6-.Ltmp0, $4  }
0x4: {  	s3 =	rddreg [dreg:$0x3]  }
0x5: {  	s2 =	rddreg [dreg:$0x4];
	s4 =	simm.s32 $0x0  }
0x6: {  	[smem:$0x7FF] =	sst s4  }
0x7: {  	s0 =	rddreg [dreg:$0x5];
	_ =	strace $0x80000047  }
0x8: {  	s8 =	sshll.u32 s1, $0x5  }
0x9: {  	s8 =	smin.u32 s8, $0x168  }
0xa: {  	s9 =	sadd.s32 $0x1400, s5;
	s13 =	sshll.u32 s8, $0x5  }
0xb: {  	s11 =	simm.s32 $0x2100;
	s10 =	sshrl.u32 s8, $0x3;
	s6 =	sadd.s32 s6, s13  }
0xc: {  	[tilespmem:s11], [sflag:$0x1] =	stream.linear.gather [hbm4b:s6+s4], $0x2000, $0x38;
	[tilespmem:$0x6100] =	vst v63  }
0xd: {  	s15 =	simm.s32 $0x5;
	s14 =	sadd.s32 s9, s10  }
0xe: {  	[tilespmem:s4], [sflag:$0x5] =	stream.linear.gather [hbm4b:s14+s4], $0x10, $0x38;
	[tilespmem:$0x6100] =	vst v63  }
0xf: {  	s16 =	sor.u32 $0x10, s8;
	_ =	swait.ge [sflag:s15], $0x10  }
0x10: {  	s8 =	sshrl.u32 s16, $0x3;
	[sflag:s15] =	ssyncset.done $0x0  }
0x11: {  	s17 =	simm.s32 $0x80;
	s8 =	sadd.s32 s9, s8;
	[sflag:s15] =	ssyncadd.s32 $0xFFFFFFF0  }
0x12: {  	[tilespmem:s17], [sflag:$0x5] =	stream.linear.gather [hbm4b:s8+s4], $0x10, $0x38;
	[tilespmem:$0x6100] =	vst v63  }
0x13: {  	_ =	swait.ge [sflag:s15], $0x10  }
0x14: {  	[sflag:s15] =	ssyncset.done $0x0  }
0x15: {  	[sflag:s15] =	ssyncadd.s32 $0xFFFFFFF0  }
0x16: {  	v0 =	vld [tilespmem:$0x0];
	_ =	sdelay $0x4  }
0x17: {  	v1 =	vshll.u32 v0, $0x1  }
0x18: {  	v2 =	vlaneseq.u32;
	v0 =	vand.u32 $0x7, v0;
	v1 =	vand.u32 $0xFFFFFFF0, v1  }
0x19: {  	v3 =	vshrl.u32 v2, $0x3;
	v0 =	vor.u32 v0, v1;
	v1 =	vand.u32 $0x7, v2  }
0x1a: {  	v3 =	vmul.u32 $0x8, v3;
	v4 =	vperm.xlane v0, v1  }
0x1b: {  	v2 =	vor.u32 $0x8, v2  }
0x1c: {  	v0 =	vperm.xlane v0, v2;
	v4 =	vadd.s32 v3, v4;
	_ =	sdelay $0x1  }
0x1d: {  	v0 =	vadd.s32 v3, v0;
	_ =	sdelay $0x1  }
0x1e: {  	vm0 =	vmmov $0xffff;
	s18 =	simm.s32 $0x100  }
0x1f: {  	[tilespmem:s18], [sflag:$0x2] =	stream.indirect_vreg.gather [hbm4b:s7+s4], $0x80, v4, vm0, $0xb8;
	[tilespmem:$0x6100] =	vst v63  }
0x20: {  	s19 =	simm.s32 $0x900  }
0x21: {  	[tilespmem:s19], [sflag:$0x2] =	stream.indirect_vreg.gather [hbm4b:s7+s4], $0x80, v0, vm0, $0xb8;
	[tilespmem:$0x6100] =	vst v63  }
0x22: {  	v0 =	vld [tilespmem:$0x80];
	_ =	sdelay $0x4  }
0x23: {  	v4 =	vshll.u32 v0, $0x1  }
0x24: {  	v0 =	vand.u32 $0x7, v0;
	v4 =	vand.u32 $0xFFFFFFF0, v4  }
0x25: {  	v0 =	vor.u32 v0, v4  }
0x26: {  	v1 =	vperm.xlane v0, v1;
	_ =	sdelay $0x1  }
0x27: {  	v0 =	vperm.xlane v0, v2;
	v1 =	vadd.s32 v3, v1;
	_ =	sdelay $0x1  }
0x28: {  	v0 =	vadd.s32 v3, v0;
	_ =	sdelay $0x1  }
0x29: {  	s20 =	simm.s32 $0x1100  }
0x2a: {  	[tilespmem:s20], [sflag:$0x3] =	stream.indirect_vreg.gather [hbm4b:s7+s4], $0x80, v1, vm0, $0xb8;
	[tilespmem:$0x6100] =	vst v63  }
0x2b: {  	s21 =	simm.s32 $0x1900;
	s22 =	simm.s32 $0x2  }
0x2c: {  	[tilespmem:s21], [sflag:$0x3] =	stream.indirect_vreg.gather [hbm4b:s7+s4], $0x80, v0, vm0, $0xb8;
	[tilespmem:$0x6100] =	vst v63  }
0x2d: {  	_ =	swait.ge [sflag:s22], $0x1000  }
0x2e: {  	[sflag:s22] =	ssyncset.done $0x0  }
0x2f: {  	s24 =	simm.s32 $0x1;
	s23 =	sadd.s32 s3, s13;
	[sflag:s22] =	ssyncadd.s32 $0xFFFFF000  }
0x30: {  	[hbm4b:s23+s4] =	stream.linear.scatter [tilespmem:s18], [sflag:$0x4], $0x1000, $0x38;
	[tilespmem:$0x6100] =	vst v63  }
0x31: {  	_ =	swait.ge [sflag:s24], $0x2000  }
0x32: {  	s25 =	sand.u32 $0x800, s4;
	s26 =	sand.u32 $0x380, s4;
	[sflag:s24] =	ssyncset.done $0x0  }
0x33: {  	s4 =	sor.u32 s26, s25;
	[sflag:s24] =	ssyncadd.s32 $0xFFFFE000  }
0x34: {  	v0 =	vld [tilespmem:s4+$0x570]  }
0x35: {  	v1 =	vld [tilespmem:s4+$0x2570]  }
0x36: {  	v2 =	vld [tilespmem:s4+$0x100]  }
0x37: {  	v3 =	vld [tilespmem:s4+$0x2100]  }
0x38: {  	v4 =	vld [tilespmem:s4+$0x110]  }
0x39: {  	v5 =	vld [tilespmem:s4+$0x2110]  }
0x3a: {  	v6 =	vld [tilespmem:s4+$0x120]  }
0x3b: {  	v7 =	vld [tilespmem:s4+$0x130];
	v0 =	vsub.f32 v0, v1  }
0x3c: {  	v8 =	vld [tilespmem:s4+$0x140];
	v2 =	vsub.f32 v2, v3  }
0x3d: {  	v1 =	vld [tilespmem:s4+$0x2120];
	v0 =	vmul.f32 v0, v0  }
0x3e: {  	v3 =	vld [tilespmem:s4+$0x2130];
	v2 =	vmul.f32 v2, v2  }
0x3f: {  	[tilespmem:s4+$0x4570] =	vst v0;
	v0 =	vsub.f32 v4, v5;
	v4 =	vld [tilespmem:s4+$0x2140]  }
0x40: {  	[tilespmem:s4+$0x4100] =	vst v2;
	v2 =	vld [tilespmem:s4+$0x150]  }
0x41: {  	v5 =	vld [tilespmem:s4+$0x2150]  }
0x42: {  	v1 =	vsub.f32 v6, v1;
	v0 =	vmul.f32 v0, v0  }
0x43: {  	v6 =	vld [tilespmem:s4+$0x2160]  }
0x44: {  	v3 =	vsub.f32 v7, v3;
	[tilespmem:s4+$0x4110] =	vst v0;
	v0 =	vmul.f32 v1, v1;
	v1 =	vld [tilespmem:s4+$0x160]  }
0x45: {  	v7 =	vld [tilespmem:s4+$0x2170]  }
0x46: {  	v4 =	vsub.f32 v8, v4;
	v2 =	vsub.f32 v2, v5;
	v5 =	vld [tilespmem:s4+$0x2500];
	[tilespmem:s4+$0x4120] =	vst v0;
	v0 =	vmul.f32 v3, v3  }
0x47: {  	v3 =	vld [tilespmem:s4+$0x170]  }
0x48: {  	[tilespmem:s4+$0x4130] =	vst v0;
	v0 =	vmul.f32 v4, v4;
	v4 =	vld [tilespmem:s4+$0x500]  }
0x49: {  	v1 =	vsub.f32 v1, v6;
	v6 =	vld [tilespmem:s4+$0x2510]  }
0x4a: {  	[tilespmem:s4+$0x4140] =	vst v0;
	v0 =	vmul.f32 v2, v2;
	v2 =	vld [tilespmem:s4+$0x510]  }
0x4b: {  	v8 =	vld [tilespmem:s4+$0x520]  }
0x4c: {  	[tilespmem:s4+$0x4150] =	vst v0;
	v0 =	vmul.f32 v1, v1;
	v1 =	vsub.f32 v3, v7;
	v7 =	vld [tilespmem:s4+$0x2520]  }
0x4d: {  	v9 =	vld [tilespmem:s4+$0x530]  }
0x4e: {  	[tilespmem:s4+$0x4160] =	vst v0;
	v0 =	vmul.f32 v1, v1;
	v1 =	vsub.f32 v4, v5;
	v5 =	vld [tilespmem:s4+$0x2530]  }
0x4f: {  	v3 =	vld [tilespmem:s4+$0x2540];
	v2 =	vsub.f32 v2, v6  }
0x50: {  	[tilespmem:s4+$0x4170] =	vst v0;
	v1 =	vmul.f32 v1, v1;
	v0 =	vld [tilespmem:s4+$0x540]  }
0x51: {  	s29 =	simm.s32 $0x100;
	v4 =	vmul.f32 v2, v2;
	v2 =	vld [tilespmem:s4+$0x2550];
	v6 =	vsub.f32 v8, v7  }
0x52: {  	s30 =	sand.u32 $0x800, s29;
	s6 =	simm.s32 $0x80;
	[tilespmem:s4+$0x4500] =	vst v1;
	v1 =	vld [tilespmem:s4+$0x550]  }
0x53: {  	s28 =	sshll.u32 s16, $0x5;
	s2 =	sadd.s32 s2, s13;
	s31 =	sand.u32 $0x380, s6;
	[tilespmem:s4+$0x4510] =	vst v4;
	v4 =	vld [tilespmem:s4+$0x560];
	v6 =	vmul.f32 v6, v6;
	v7 =	vsub.f32 v9, v5  }
0x54: {  	s3 =	sadd.s32 s3, s28;
	s5 =	sor.u32 s31, s30;
	s7 =	simm.s32 $0x200;
	v5 =	vld [tilespmem:s4+$0x2560]  }
.LBB2_2:
0x55: {  	p0 =	sne.s32 s7, $0xF00;
	v8 =	vld [tilespmem:s5+$0x570];
	[tilespmem:s4+$0x4520] =	vst v6;
	v6 =	vmul.f32 v7, v7;
	v0 =	vsub.f32 v0, v3  }
0x56: {  	v3 =	vld [tilespmem:s5+$0x2570]  }
0x57: {  	v7 =	vld [tilespmem:s5+$0x100];
	[tilespmem:s4+$0x4530] =	vst v6;
	v0 =	vmul.f32 v0, v0;
	v1 =	vsub.f32 v1, v2  }
0x58: {  	v2 =	vld [tilespmem:s5+$0x2100]  }
0x59: {  	v6 =	vld [tilespmem:s5+$0x110];
	[tilespmem:s4+$0x4540] =	vst v0;
	v0 =	vmul.f32 v1, v1;
	v1 =	vsub.f32 v4, v5  }
0x5a: {  	v4 =	vld [tilespmem:s5+$0x2110]  }
0x5b: {  	v5 =	vld [tilespmem:s5+$0x120];
	v3 =	vsub.f32 v8, v3;
	[tilespmem:s4+$0x4550] =	vst v0;
	v0 =	vmul.f32 v1, v1  }
0x5c: {  	v1 =	vld [tilespmem:s5+$0x2120]  }
0x5d: {  	v2 =	vsub.f32 v7, v2;
	v7 =	vld [tilespmem:s5+$0x130];
	v3 =	vmul.f32 v3, v3;
	[tilespmem:s4+$0x4560] =	vst v0;
	s4 =	smov.u32 s5  }
0x5e: {  	v0 =	vld [tilespmem:s4+$0x2130]  }
0x5f: {  	v2 =	vmul.f32 v2, v2;
	v4 =	vsub.f32 v6, v4;
	v6 =	vld [tilespmem:s4+$0x140];
	[tilespmem:s4+$0x4570] =	vst v3  }
0x60: {  	v3 =	vld [tilespmem:s4+$0x2140]  }
0x61: {  	[tilespmem:s4+$0x4100] =	vst v2;
	v2 =	vmul.f32 v4, v4;
	v1 =	vsub.f32 v5, v1;
	v4 =	vld [tilespmem:s4+$0x150]  }
0x62: {  	v5 =	vld [tilespmem:s4+$0x2150]  }
0x63: {  	[tilespmem:s4+$0x4110] =	vst v2;
	v1 =	vmul.f32 v1, v1;
	v0 =	vsub.f32 v7, v0;
	v2 =	vld [tilespmem:s4+$0x160]  }
0x64: {  	v7 =	vld [tilespmem:s4+$0x2160]  }
0x65: {  	[tilespmem:s4+$0x4120] =	vst v1;
	v0 =	vmul.f32 v0, v0;
	v1 =	vsub.f32 v6, v3;
	v3 =	vld [tilespmem:s4+$0x170]  }
0x66: {  	v6 =	vld [tilespmem:s4+$0x2170]  }
0x67: {  	[tilespmem:s4+$0x4130] =	vst v0;
	v0 =	vmul.f32 v1, v1;
	v1 =	vsub.f32 v4, v5;
	v4 =	vld [tilespmem:s4+$0x500]  }
0x68: {  	v5 =	vld [tilespmem:s4+$0x2500]  }
0x69: {  	[tilespmem:s4+$0x4140] =	vst v0;
	v0 =	vmul.f32 v1, v1;
	v1 =	vsub.f32 v2, v7;
	v2 =	vld [tilespmem:s4+$0x510]  }
0x6a: {  	v7 =	vld [tilespmem:s4+$0x2510]  }
0x6b: {  	[tilespmem:s4+$0x4150] =	vst v0;
	v0 =	vmul.f32 v1, v1;
	v1 =	vsub.f32 v3, v6;
	v6 =	vld [tilespmem:s4+$0x520]  }
0x6c: {  	v8 =	vld [tilespmem:s4+$0x2520]  }
0x6d: {  	[tilespmem:s4+$0x4160] =	vst v0;
	v0 =	vmul.f32 v1, v1;
	v1 =	vsub.f32 v4, v5;
	v4 =	vld [tilespmem:s4+$0x530]  }
0x6e: {  	v5 =	vld [tilespmem:s4+$0x2530]  }
0x6f: {  	[tilespmem:s4+$0x4170] =	vst v0;
	v1 =	vmul.f32 v1, v1;
	v2 =	vsub.f32 v2, v7;
	v0 =	vld [tilespmem:s4+$0x540]  }
.Ltmp1:
0x70: {  	v3 =	vld [tilespmem:s4+$0x2540];
	(pc) =	sbr.rel @p0 .LBB2_2-.Ltmp1, $4  }
0x71: {  	[tilespmem:s4+$0x4500] =	vst v1;
	v7 =	vmul.f32 v2, v2;
	v6 =	vsub.f32 v6, v8;
	v1 =	vld [tilespmem:s4+$0x550]  }
0x72: {  	s6 =	sadd.s32 $0x80, s6;
	v2 =	vld [tilespmem:s4+$0x2550]  }
0x73: {  	s8 =	sand.u32 $0x380, s6;
	s5 =	sand.u32 $0x800, s7;
	[tilespmem:s4+$0x4510] =	vst v7;
	v6 =	vmul.f32 v6, v6;
	v7 =	vsub.f32 v4, v5;
	v4 =	vld [tilespmem:s4+$0x560]  }
0x74: {  	s7 =	sadd.s32 $0x100, s7;
	s5 =	sor.u32 s8, s5;
	v5 =	vld [tilespmem:s4+$0x2560]  }
0x75: {  	v8 =	vld [tilespmem:s5+$0x570];
	[tilespmem:s4+$0x4520] =	vst v6;
	v36 =	vmul.f32 v7, v7;
	v0 =	vsub.f32 v0, v3  }
0x76: {  	v37 =	vld [tilespmem:s5+$0x2570]  }
0x77: {  	v3 =	vld [tilespmem:s5+$0x100];
	[tilespmem:s4+$0x4530] =	vst v36;
	v0 =	vmul.f32 v0, v0;
	v1 =	vsub.f32 v1, v2  }
0x78: {  	v6 =	vld [tilespmem:s5+$0x2100]  }
0x79: {  	v2 =	vld [tilespmem:s5+$0x110];
	[tilespmem:s4+$0x4540] =	vst v0;
	v0 =	vmul.f32 v1, v1;
	v4 =	vsub.f32 v4, v5  }
0x7a: {  	v1 =	vld [tilespmem:s5+$0x2110]  }
0x7b: {  	v38 =	vld [tilespmem:s5+$0x120];
	[tilespmem:s4+$0x4550] =	vst v0;
	v0 =	vmul.f32 v4, v4  }
0x7c: {  	v39 =	vld [tilespmem:s5+$0x2120]  }
0x7d: {  	v7 =	vsub.f32 v8, v37;
	v40 =	vld [tilespmem:s5+$0x130];
	[tilespmem:s4+$0x4560] =	vst v0  }
0x7e: {  	v0 =	vsub.f32 v3, v6;
	v41 =	vld [tilespmem:s5+$0x2130]  }
0x7f: {  	v3 =	vmul.f32 v7, v7;
	v42 =	vld [tilespmem:s5+$0x140]  }
0x80: {  	v43 =	vld [tilespmem:s5+$0x2150];
	v0 =	vmul.f32 v0, v0;
	v1 =	vsub.f32 v2, v1  }
0x81: {  	[tilespmem:s5+$0x4570] =	vst v3;
	v2 =	vld [tilespmem:s5+$0x2140]  }
0x82: {  	v45 =	vld [tilespmem:s5+$0x2160];
	[tilespmem:s5+$0x4100] =	vst v0;
	v0 =	vmul.f32 v1, v1;
	v3 =	vsub.f32 v38, v39  }
0x83: {  	v1 =	vld [tilespmem:s5+$0x150]  }
0x84: {  	v46 =	vld [tilespmem:s5+$0x170];
	[tilespmem:s5+$0x4110] =	vst v0;
	v0 =	vmul.f32 v3, v3;
	v44 =	vsub.f32 v40, v41  }
0x85: {  	v3 =	vld [tilespmem:s5+$0x160]  }
0x86: {  	v47 =	vld [tilespmem:s5+$0x2170];
	v2 =	vsub.f32 v42, v2;
	[tilespmem:s5+$0x4120] =	vst v0;
	v0 =	vmul.f32 v44, v44  }
0x87: {  	v48 =	vld [tilespmem:s5+$0x2500]  }
0x88: {  	v49 =	vld [tilespmem:s5+$0x2510];
	v1 =	vsub.f32 v1, v43;
	[tilespmem:s5+$0x4130] =	vst v0;
	v0 =	vmul.f32 v2, v2  }
0x89: {  	v2 =	vld [tilespmem:s5+$0x500]  }
0x8a: {  	v50 =	vld [tilespmem:s5+$0x2520];
	v3 =	vsub.f32 v3, v45;
	[tilespmem:s5+$0x4140] =	vst v0;
	v0 =	vmul.f32 v1, v1  }
0x8b: {  	v1 =	vld [tilespmem:s5+$0x510]  }
0x8c: {  	v51 =	vld [tilespmem:s5+$0x530];
	v5 =	vsub.f32 v46, v47;
	[tilespmem:s5+$0x4150] =	vst v0;
	v0 =	vmul.f32 v3, v3  }
0x8d: {  	v52 =	vld [tilespmem:s5+$0x2530]  }
0x8e: {  	v53 =	vld [tilespmem:s5+$0x2540];
	v2 =	vsub.f32 v2, v48;
	[tilespmem:s5+$0x4160] =	vst v0;
	v0 =	vmul.f32 v5, v5  }
0x8f: {  	v54 =	vld [tilespmem:s5+$0x2550]  }
0x90: {  	v9 =	vld [tilespmem:s5+$0x2560];
	v1 =	vsub.f32 v1, v49;
	[tilespmem:s5+$0x4170] =	vst v0;
	v0 =	vmul.f32 v2, v2  }
0x91: {  	v3 =	vld [tilespmem:s5+$0x520]  }
0x92: {  	v2 =	vld [tilespmem:s5+$0x540];
	[tilespmem:s5+$0x4500] =	vst v0;
	v0 =	vmul.f32 v1, v1  }
0x93: {  	v1 =	vld [tilespmem:s5+$0x550]  }
0x94: {  	[tilespmem:s5+$0x4510] =	vst v0;
	v0 =	vld [tilespmem:s5+$0x560]  }
0x95: {  	v4 =	vsub.f32 v51, v52  }
0x96: {  	v3 =	vsub.f32 v3, v50  }
0x97: {  	v4 =	vmul.f32 v4, v4;
	v2 =	vsub.f32 v2, v53  }
0x98: {  	v3 =	vmul.f32 v3, v3;
	v1 =	vsub.f32 v1, v54  }
0x99: {  	[tilespmem:s5+$0x4530] =	vst v4;
	v2 =	vmul.f32 v2, v2;
	v0 =	vsub.f32 v0, v9  }
0x9a: {  	[tilespmem:s5+$0x4520] =	vst v3;
	v1 =	vmul.f32 v1, v1  }
0x9b: {  	[tilespmem:s5+$0x4540] =	vst v2;
	v0 =	vmul.f32 v0, v0  }
0x9c: {  	[tilespmem:s5+$0x4550] =	vst v1  }
0x9d: {  	s23 =	simm.s32 $0x3;
	[tilespmem:s5+$0x4560] =	vst v0  }
0x9e: {  	_ =	swait.ge [sflag:s23], $0x1000  }
0x9f: {  	s24 =	simm.s32 $0x1100;
	s4 =	simm.s32 $0x0;
	[sflag:s23] =	ssyncset.done $0x0  }
0xa0: {  	s25 =	sand.u32 $0x800, s4;
	s26 =	sand.u32 $0x380, s4;
	[sflag:s23] =	ssyncadd.s32 $0xFFFFF000  }
0xa1: {  	[hbm4b:s3+s4] =	stream.linear.scatter [tilespmem:s24], [sflag:$0x4], $0x1000, $0x38;
	[tilespmem:$0x6100] =	vst v63  }
0xa2: {  	s3 =	sor.u32 s26, s25  }
0xa3: {  	v0 =	vld [tilespmem:s3+$0x1160]  }
0xa4: {  	v1 =	vld [tilespmem:s3+$0x3150]  }
0xa5: {  	v2 =	vld [tilespmem:s3+$0x1150]  }
0xa6: {  	v3 =	vld [tilespmem:s3+$0x1100]  }
0xa7: {  	v55 =	vld [tilespmem:s3+$0x3170]  }
0xa8: {  	v56 =	vld [tilespmem:s3+$0x1170]  }
0xa9: {  	v57 =	vld [tilespmem:s3+$0x3120]  }
0xaa: {  	v58 =	vld [tilespmem:s3+$0x1120]  }
0xab: {  	v59 =	vld [tilespmem:s3+$0x1110]  }
0xac: {  	v60 =	vld [tilespmem:s3+$0x1130]  }
0xad: {  	v10 =	vld [tilespmem:s3+$0x3100]  }
0xae: {  	v62 =	vld [tilespmem:s3+$0x3160]  }
0xaf: {  	v11 =	vld [tilespmem:s3+$0x3110]  }
0xb0: {  	v12 =	vld [tilespmem:s3+$0x3140];
	v1 =	vsub.f32 v2, v1  }
0xb1: {  	v2 =	vld [tilespmem:s3+$0x1140];
	v4 =	vsub.f32 v56, v55  }
0xb2: {  	v61 =	vld [tilespmem:s3+$0x3130];
	v6 =	vsub.f32 v58, v57;
	v1 =	vmul.f32 v1, v1  }
0xb3: {  	v0 =	vsub.f32 v0, v62;
	v4 =	vmul.f32 v4, v4  }
0xb4: {  	v3 =	vsub.f32 v3, v10;
	v6 =	vmul.f32 v6, v6;
	[tilespmem:s3+$0x5150] =	vst v1  }
0xb5: {  	v8 =	vsub.f32 v59, v11;
	v0 =	vmul.f32 v0, v0;
	[tilespmem:s3+$0x5170] =	vst v4  }
0xb6: {  	v1 =	vmul.f32 v3, v3;
	[tilespmem:s3+$0x5120] =	vst v6;
	v2 =	vsub.f32 v2, v12  }
0xb7: {  	v63 =	vsub.f32 v60, v61;
	v3 =	vmul.f32 v8, v8;
	[tilespmem:s3+$0x5160] =	vst v0  }
0xb8: {  	[tilespmem:s3+$0x5100] =	vst v1;
	v1 =	vmul.f32 v2, v2  }
0xb9: {  	s28 =	sand.u32 $0xFFFFF800, s4;
	[tilespmem:s3+$0x5110] =	vst v3;
	v2 =	vmul.f32 v63, v63  }
0xba: {  	s6 =	sadd.s32 $0x0, s28;
	[tilespmem:s3+$0x5140] =	vst v1  }
0xbb: {  	s5 =	sor.u32 $0x1400, s6;
	v0 =	vld [tilespmem:s3+$0x1500];
	[tilespmem:s3+$0x5130] =	vst v2  }
0xbc: {  	v1 =	vld [tilespmem:s5+$0x2100];
	_ =	sdelay $0x4  }
0xbd: {  	v0 =	vsub.f32 v0, v1;
	_ =	sdelay $0x1  }
0xbe: {  	v0 =	vmul.f32 v0, v0;
	_ =	sdelay $0x1  }
0xbf: {  	[tilespmem:s5+$0x4100] =	vst v0  }
0xc0: {  	s29 =	sor.u32 $0x1410, s6;
	v0 =	vld [tilespmem:s3+$0x1510]  }
0xc1: {  	v1 =	vld [tilespmem:s29+$0x2100];
	_ =	sdelay $0x4  }
0xc2: {  	v0 =	vsub.f32 v0, v1;
	_ =	sdelay $0x1  }
0xc3: {  	v0 =	vmul.f32 v0, v0;
	_ =	sdelay $0x1  }
0xc4: {  	[tilespmem:s29+$0x4100] =	vst v0  }
0xc5: {  	s30 =	sor.u32 $0x1420, s6;
	v0 =	vld [tilespmem:s3+$0x1520]  }
0xc6: {  	v1 =	vld [tilespmem:s30+$0x2100];
	_ =	sdelay $0x4  }
0xc7: {  	v0 =	vsub.f32 v0, v1;
	_ =	sdelay $0x1  }
0xc8: {  	v0 =	vmul.f32 v0, v0;
	_ =	sdelay $0x1  }
0xc9: {  	[tilespmem:s30+$0x4100] =	vst v0  }
0xca: {  	s31 =	sor.u32 $0x1430, s6;
	v0 =	vld [tilespmem:s3+$0x1530]  }
0xcb: {  	v1 =	vld [tilespmem:s31+$0x2100];
	_ =	sdelay $0x4  }
0xcc: {  	v0 =	vsub.f32 v0, v1;
	_ =	sdelay $0x1  }
0xcd: {  	v0 =	vmul.f32 v0, v0;
	_ =	sdelay $0x1  }
0xce: {  	[tilespmem:s31+$0x4100] =	vst v0  }
0xcf: {  	s8 =	sor.u32 $0x1440, s6;
	v0 =	vld [tilespmem:s3+$0x1540]  }
0xd0: {  	v1 =	vld [tilespmem:s8+$0x2100];
	_ =	sdelay $0x4  }
0xd1: {  	s5 =	simm.s32 $0x100;
	v0 =	vsub.f32 v0, v1  }
.LBB2_4:
0xd2: {  	p0 =	sne.s32 s5, $0xF00  }
0xd3: {  	s4 =	sadd.s32 $0x80, s4;
	s7 =	smov.u32 s5;
	s5 =	sadd.s32 $0x100, s5  }
0xd4: {  	v0 =	vmul.f32 v0, v0;
	_ =	sdelay $0x1  }
0xd5: {  	[tilespmem:s8+$0x4100] =	vst v0  }
0xd6: {  	s8 =	sor.u32 $0x1450, s6;
	v0 =	vld [tilespmem:s3+$0x1550]  }
0xd7: {  	v1 =	vld [tilespmem:s8+$0x2100];
	_ =	sdelay $0x4  }
0xd8: {  	v0 =	vsub.f32 v0, v1;
	_ =	sdelay $0x1  }
0xd9: {  	v0 =	vmul.f32 v0, v0;
	_ =	sdelay $0x1  }
0xda: {  	[tilespmem:s8+$0x4100] =	vst v0  }
0xdb: {  	s8 =	sor.u32 $0x1460, s6;
	v0 =	vld [tilespmem:s3+$0x1560]  }
0xdc: {  	v1 =	vld [tilespmem:s8+$0x2100];
	_ =	sdelay $0x4  }
0xdd: {  	s9 =	sand.u32 $0x800, s7;
	s10 =	sand.u32 $0x380, s4;
	v0 =	vsub.f32 v0, v1  }
0xde: {  	s9 =	sor.u32 s10, s9  }
0xdf: {  	v0 =	vmul.f32 v0, v0;
	_ =	sdelay $0x1  }
0xe0: {  	[tilespmem:s8+$0x4100] =	vst v0  }
0xe1: {  	s6 =	sor.u32 $0x1470, s6;
	v0 =	vld [tilespmem:s3+$0x1570];
	s3 =	smov.u32 s9  }
0xe2: {  	v1 =	vld [tilespmem:s6+$0x2100];
	_ =	sdelay $0x4  }
0xe3: {  	v0 =	vsub.f32 v0, v1;
	_ =	sdelay $0x1  }
0xe4: {  	v0 =	vmul.f32 v0, v0;
	_ =	sdelay $0x1  }
0xe5: {  	[tilespmem:s6+$0x4100] =	vst v0  }
0xe6: {  	v0 =	vld [tilespmem:s3+$0x1160]  }
0xe7: {  	v1 =	vld [tilespmem:s3+$0x3150]  }
0xe8: {  	v2 =	vld [tilespmem:s3+$0x1150]  }
0xe9: {  	v3 =	vld [tilespmem:s3+$0x1100]  }
0xea: {  	v4 =	vld [tilespmem:s3+$0x3170]  }
0xeb: {  	v5 =	vld [tilespmem:s3+$0x1170]  }
0xec: {  	v6 =	vld [tilespmem:s3+$0x3120]  }
0xed: {  	v7 =	vld [tilespmem:s3+$0x1120];
	v1 =	vsub.f32 v2, v1  }
0xee: {  	v2 =	vld [tilespmem:s3+$0x1110]  }
0xef: {  	v8 =	vld [tilespmem:s3+$0x1130];
	v1 =	vmul.f32 v1, v1  }
0xf0: {  	v9 =	vld [tilespmem:s3+$0x3100]  }
0xf1: {  	v10 =	vld [tilespmem:s3+$0x3110]  }
0xf2: {  	v11 =	vld [tilespmem:s3+$0x3140]  }
0xf3: {  	v12 =	vld [tilespmem:s3+$0x1140]  }
0xf4: {  	v4 =	vsub.f32 v5, v4;
	v6 =	vsub.f32 v7, v6;
	v7 =	vld [tilespmem:s3+$0x3130]  }
0xf5: {  	v3 =	vsub.f32 v3, v9;
	v5 =	vld [tilespmem:s3+$0x3160]  }
0xf6: {  	v4 =	vmul.f32 v4, v4;
	v6 =	vmul.f32 v6, v6;
	v2 =	vsub.f32 v2, v10  }
0xf7: {  	v3 =	vmul.f32 v3, v3;
	[tilespmem:s3+$0x5150] =	vst v1  }
0xf8: {  	v1 =	vmul.f32 v2, v2;
	v2 =	vsub.f32 v12, v11;
	[tilespmem:s3+$0x5170] =	vst v4  }
0xf9: {  	[tilespmem:s3+$0x5120] =	vst v6;
	v4 =	vsub.f32 v8, v7  }
0xfa: {  	[tilespmem:s3+$0x5100] =	vst v3;
	v2 =	vmul.f32 v2, v2;
	v0 =	vsub.f32 v0, v5  }
0xfb: {  	[tilespmem:s3+$0x5110] =	vst v1;
	v1 =	vmul.f32 v4, v4  }
0xfc: {  	s6 =	sand.u32 $0xFFFFF800, s7;
	[tilespmem:s3+$0x5140] =	vst v2;
	v0 =	vmul.f32 v0, v0  }
0xfd: {  	s6 =	sadd.s32 s6, s4;
	[tilespmem:s3+$0x5130] =	vst v1  }
0xfe: {  	s7 =	sor.u32 $0x1400, s6;
	[tilespmem:s3+$0x5160] =	vst v0;
	v0 =	vld [tilespmem:s3+$0x1500]  }
0xff: {  	v1 =	vld [tilespmem:s7+$0x2100];
	_ =	sdelay $0x4  }
0x100: {  	v0 =	vsub.f32 v0, v1;
	_ =	sdelay $0x1  }
0x101: {  	v0 =	vmul.f32 v0, v0;
	_ =	sdelay $0x1  }
0x102: {  	[tilespmem:s7+$0x4100] =	vst v0  }
0x103: {  	s7 =	sor.u32 $0x1410, s6;
	v0 =	vld [tilespmem:s3+$0x1510]  }
0x104: {  	v1 =	vld [tilespmem:s7+$0x2100];
	_ =	sdelay $0x4  }
0x105: {  	v0 =	vsub.f32 v0, v1;
	_ =	sdelay $0x1  }
0x106: {  	v0 =	vmul.f32 v0, v0;
	_ =	sdelay $0x1  }
0x107: {  	[tilespmem:s7+$0x4100] =	vst v0  }
0x108: {  	s7 =	sor.u32 $0x1420, s6;
	v0 =	vld [tilespmem:s3+$0x1520]  }
0x109: {  	v1 =	vld [tilespmem:s7+$0x2100];
	_ =	sdelay $0x4  }
0x10a: {  	v0 =	vsub.f32 v0, v1;
	_ =	sdelay $0x1  }
0x10b: {  	v0 =	vmul.f32 v0, v0;
	_ =	sdelay $0x1  }
0x10c: {  	[tilespmem:s7+$0x4100] =	vst v0  }
0x10d: {  	s7 =	sor.u32 $0x1430, s6;
	v0 =	vld [tilespmem:s3+$0x1530]  }
0x10e: {  	v1 =	vld [tilespmem:s7+$0x2100];
	_ =	sdelay $0x4  }
0x10f: {  	v0 =	vsub.f32 v0, v1;
	_ =	sdelay $0x1  }
0x110: {  	v0 =	vmul.f32 v0, v0;
	_ =	sdelay $0x1  }
0x111: {  	[tilespmem:s7+$0x4100] =	vst v0  }
0x112: {  	s8 =	sor.u32 $0x1440, s6;
	v0 =	vld [tilespmem:s3+$0x1540]  }
0x113: {  	v1 =	vld [tilespmem:s8+$0x2100]  }
.Ltmp2:
0x114: {  	(pc) =	sbr.rel @p0 .LBB2_4-.Ltmp2, $2  }
0x115: {  	_ =	sdelay $0x2  }
0x116: {  	v0 =	vsub.f32 v0, v1  }
0x117: {  	_ = 	snop  }
0x118: {  	v0 =	vmul.f32 v0, v0;
	_ =	sdelay $0x1  }
0x119: {  	[tilespmem:s8+$0x4100] =	vst v0  }
0x11a: {  	s4 =	sor.u32 $0x1450, s6;
	v0 =	vld [tilespmem:s3+$0x1550]  }
0x11b: {  	v1 =	vld [tilespmem:s4+$0x2100];
	_ =	sdelay $0x4  }
0x11c: {  	v0 =	vsub.f32 v0, v1;
	_ =	sdelay $0x1  }
0x11d: {  	v0 =	vmul.f32 v0, v0;
	_ =	sdelay $0x1  }
0x11e: {  	[tilespmem:s4+$0x4100] =	vst v0  }
0x11f: {  	s26 =	sor.u32 $0x1460, s6;
	v0 =	vld [tilespmem:s3+$0x1560]  }
0x120: {  	v62 =	vld [tilespmem:s26+$0x2100];
	_ =	sdelay $0x4  }
0x121: {  	v0 =	vsub.f32 v0, v62;
	_ =	sdelay $0x1  }
0x122: {  	v0 =	vmul.f32 v0, v0;
	_ =	sdelay $0x1  }
0x123: {  	[tilespmem:s26+$0x4100] =	vst v0  }
0x124: {  	s28 =	sor.u32 $0x1470, s6;
	v0 =	vld [tilespmem:s3+$0x1570]  }
0x125: {  	v63 =	vld [tilespmem:s28+$0x2100];
	_ =	sdelay $0x4  }
0x126: {  	v0 =	vsub.f32 v0, v63;
	_ =	sdelay $0x1  }
0x127: {  	v0 =	vmul.f32 v0, v0;
	_ =	sdelay $0x1  }
0x128: {  	s29 =	simm.s32 $0x0;
	s30 =	simm.s32 $0x4100;
	s31 =	simm.s32 $0x4;
	[tilespmem:s28+$0x4100] =	vst v0  }
0x129: {  	[hbm4b:s2+s29] =	stream.linear.scatter [tilespmem:s30], [sflag:$0x4], $0x2000, $0x38;
	[tilespmem:$0x6100] =	vst v63  }
0x12a: {  	_ =	swait.ge [sflag:s31], $0x1000  }
0x12b: {  	[sflag:s31] =	ssyncset.done $0x0  }
0x12c: {  	[sflag:s31] =	ssyncadd.s32 $0xFFFFF000  }
0x12d: {  	_ =	swait.ge [sflag:s31], $0x1000  }
0x12e: {  	[sflag:s31] =	ssyncset.done $0x0  }
0x12f: {  	[sflag:s31] =	ssyncadd.s32 $0xFFFFF000  }
0x130: {  	_ =	swait.ge [sflag:s31], $0x2000  }
0x131: {  	[sflag:s31] =	ssyncset.done $0x0  }
0x132: {  	[sflag:s31] =	ssyncadd.s32 $0xFFFFE000  }
.LBB2_6:
0x133: {  	_ =	sfence.sel $0x180000  }
0x134: {  	[bflag:$0x0] =	sbarrier.arrive $0xFFFF  }
0x135: {  	p0 =	sne.s32 s1, $0x0;
	_ =	strace $0x90000047  }
0x136: {  	s0 =	sadd.s32 @!p0 $0x100000, s0;
	[bflag:$0x2] =	sbarrier.arrive $0xFFFF  }
0x137: {  	[sflag:s0] =	ssyncadd.tile.s32 @!p0 $0x1;
	_ =	shalt  }
.Lfunc_end2:
_tile_overlayer_lowered:
.L_overlay_start_2:
0x138: {  	(tag) =	ssettag $0x2  }
0x139: {  	s0 =	rddreg [dreg:$0x0];
	s2 =	stileid.u32  }
0x13a: {  	s1 =	rddreg [dreg:$0x1];
	p0 =	sne.s32 s2, $0x0  }
0x13b: {  	s3 =	rddreg [dreg:$0x2];
	[bflag:$0x3] =	sbarrier.arrive $0xFFFF;
	s2 =	simm.s32 @!p0 $0x1C05  }
0x13c: {  	[timem:s3], [sflag:s2] =	dma.local @!p0 [hbm:s0], s1  }
0x13d: {  	s0 =	simm.s32 @!p0 $0x5  }
0x13e: {  	_ =	swait.ge @!p0 [sflag:s0], s1  }
0x13f: {  	s1 =	ssub.s32 @!p0 $0x0, s1;
	[sflag:s0] =	ssyncset.done @!p0 $0x0  }
0x140: {  	[sflag:s0] =	ssyncadd.s32 @!p0 s1  }
0x141: {  	[bflag:$0x3] =	sbarrier.arrive $0xFFFF  }
0x142: {  	_ =	shalt  }

</sc_bundles>
